<compile_context>
chip_gen: v7x
topology: tpu7x:2x2x1
jax: 0.10.2.dev20260603
libtpu: 0.0.44.dev20260713+nightly
codegen_flags: <defaults>
</compile_context>

<pallas_src>
import functools

import jax
import jax.numpy as jnp
from jax import lax
from jax.experimental import pallas as pl
from jax.experimental.pallas import tpu as pltpu, tpu_sc as plsc

N_NODES = 10000
N_EDGES = 160000
IN_FT = 256
OUT_FT = 256

NUM_CORES = 2
NUM_TILES = 16
HALF_FT = OUT_FT // NUM_CORES
CHUNK = 128
E_PAD = 16 * CHUNK * ((N_EDGES + 16 * CHUNK - 1) // (16 * CHUNK))
E_PER_TILE = E_PAD // NUM_TILES
N_CHUNKS = E_PER_TILE // CHUNK
ROWS_PER_TILE = 640
N_PAD = NUM_TILES * ROWS_PER_TILE
ROW_BLK = 128
N_ROW_BLKS = ROWS_PER_TILE // ROW_BLK
LANES = 16
VPR = HALF_FT // LANES


def _mm_body(seq_ref, w_ref, out_ref):
    out_ref[...] = lax.dot_general(
        seq_ref[...], w_ref[0],
        (((1,), (0,)), ((), ())),
        preferred_element_type=jnp.float32)


def _tc_matmul(seq, w2):
    n_blk = 1000
    n_grid = N_NODES // n_blk
    return pl.pallas_call(
        _mm_body,
        grid=(NUM_CORES, n_grid),
        in_specs=[
            pl.BlockSpec((n_blk, IN_FT), lambda p, i: (i, 0)),
            pl.BlockSpec((1, IN_FT, HALF_FT), lambda p, i: (p, 0, 0)),
        ],
        out_specs=pl.BlockSpec((n_blk, HALF_FT), lambda p, i: (p * n_grid + i, 0)),
        out_shape=jax.ShapeDtypeStruct((NUM_CORES * N_NODES, HALF_FT), jnp.float32),
    )(seq, w2)


def _sc_body(seqfts_hbm, edata_hbm, bias2_hbm, prelu_hbm,
             out_hbm, eb6, rbd, bias_v, prelu_v, acc_sh, gsem, ssem, esem):
    c = lax.axis_index("c")
    s = lax.axis_index("s")

    zero16 = jnp.zeros((LANES,), jnp.float32)

    def zrow(r, carry):
        for j in range(VPR):
            rbd[r, pl.ds(j * LANES, LANES)] = zero16
        return carry

    lax.fori_loop(0, ROW_BLK, zrow, 0)
    r0 = s * ROWS_PER_TILE

    def zblk(b, carry):
        pltpu.sync_copy(rbd.at[pl.ds(0, ROW_BLK)],
                        acc_sh.at[pl.ds(r0 + b * ROW_BLK, ROW_BLK)])
        return carry

    lax.fori_loop(0, N_ROW_BLKS, zblk, 0)
    plsc.subcore_barrier()

    ch0 = s * N_CHUNKS

    pltpu.async_copy(seqfts_hbm.at[pl.ds(0, CHUNK)],
                     rbd.at[pl.ds(CHUNK, CHUNK)], ssem)
    pltpu.sync_copy(edata_hbm.at[c, ch0], eb6.at[pl.ds(0, 3)])
    pltpu.async_copy(seqfts_hbm.at[eb6.at[0]], rbd.at[pl.ds(0, CHUNK)], gsem)
    pltpu.async_copy(edata_hbm.at[c, jnp.minimum(ch0 + 1, ch0 + N_CHUNKS - 1)],
                     eb6.at[pl.ds(3, 3)], esem)
    last_chunk = E_PAD // CHUNK - 1

    def chunk_step(g, carry):
        m = g % 2
        ea = (g % 3) * 3
        en = ((g + 1) % 3) * 3
        ef = ((g + 2) % 3) * 3
        rr0 = m * CHUNK
        rrn = (1 - m) * CHUNK
        ebm = eb6.at[pl.ds(ea, 3)]
        rbm = rbd.at[pl.ds(rr0, CHUNK)]
        ebn = eb6.at[pl.ds(en, 3)]
        pltpu.make_async_copy(seqfts_hbm.at[pl.ds(0, CHUNK)], rbm, ssem).wait()
        pltpu.make_async_copy(edata_hbm.at[c, 0], ebn, esem).wait()
        kf = jnp.minimum(ch0 + g + 2, last_chunk)
        pltpu.async_copy(edata_hbm.at[c, kf], eb6.at[pl.ds(ef, 3)], esem)
        pltpu.make_async_copy(seqfts_hbm.at[pl.ds(0, CHUNK)], rbm, gsem).wait()
        pltpu.async_copy(seqfts_hbm.at[ebn.at[0]], rbd.at[pl.ds(rrn, CHUNK)],
                         gsem)
        w16 = jnp.broadcast_to(ea + 2, (LANES,)).astype(jnp.int32)

        def srow(r, cc):
            widx = jnp.broadcast_to(r, (LANES,)).astype(jnp.int32)
            wspl = plsc.bitcast(
                plsc.load_gather(eb6, [w16, widx]), jnp.float32)
            for j in range(VPR):
                sl = pl.ds(j * LANES, LANES)
                rbd[rr0 + r, sl] = rbd[rr0 + r, sl] * wspl
            return cc

        lax.fori_loop(0, CHUNK, srow, 0)
        pltpu.async_copy(rbm, acc_sh.at[ebm.at[1]], ssem, add=True)
        return carry

    lax.fori_loop(0, N_CHUNKS, chunk_step, 0)
    pltpu.make_async_copy(edata_hbm.at[c, 0], eb6.at[pl.ds(0, 3)], esem).wait()
    pltpu.make_async_copy(seqfts_hbm.at[pl.ds(0, CHUNK)],
                          rbd.at[pl.ds(0, CHUNK)], gsem).wait()
    pltpu.make_async_copy(seqfts_hbm.at[pl.ds(0, CHUNK)],
                          rbd.at[pl.ds(0, CHUNK)], ssem).wait()
    plsc.subcore_barrier()

    pltpu.sync_copy(bias2_hbm.at[c], bias_v)
    pltpu.sync_copy(prelu_hbm, prelu_v)
    pv = prelu_v[...]
    bvs = [bias_v[pl.ds(j * LANES, LANES)] for j in range(VPR)]

    def eblk(b, carry):
        rbase = r0 + b * ROW_BLK
        pltpu.sync_copy(acc_sh.at[pl.ds(rbase, ROW_BLK)],
                        rbd.at[pl.ds(0, ROW_BLK)])

        def erow(r, cc):
            for j in range(VPR):
                sl = pl.ds(j * LANES, LANES)
                x = rbd[r, sl] + bvs[j]
                rbd[r, sl] = jnp.where(x > 0, x, x * pv)
            return cc

        lax.fori_loop(0, ROW_BLK, erow, 0)
        pltpu.sync_copy(
            rbd.at[pl.ds(0, ROW_BLK)],
            out_hbm.at[pl.ds(rbase, ROW_BLK), pl.ds(c * HALF_FT, HALF_FT)])
        return carry

    lax.fori_loop(0, N_ROW_BLKS, eblk, 0)


_sc_agg = functools.partial(
    pl.kernel,
    out_type=jax.ShapeDtypeStruct((N_PAD, OUT_FT), jnp.float32),
    mesh=plsc.VectorSubcoreMesh(core_axis_name="c", subcore_axis_name="s"),
    compiler_params=pltpu.CompilerParams(needs_layout_passes=False),
    scratch_types=[
        pltpu.VMEM((9, CHUNK), jnp.int32),
        pltpu.VMEM((2 * CHUNK, HALF_FT), jnp.float32),
        pltpu.VMEM((HALF_FT,), jnp.float32),
        pltpu.VMEM((LANES,), jnp.float32),
        pltpu.VMEM_SHARED((N_PAD, HALF_FT), jnp.float32),
        pltpu.SemaphoreType.DMA,
        pltpu.SemaphoreType.DMA,
        pltpu.SemaphoreType.DMA,
    ],
)(_sc_body)


@jax.jit
def kernel(seq, edge_index, edge_weight, W, bias, prelu_a):
    src = edge_index[0].astype(jnp.int32)
    dst = edge_index[1].astype(jnp.int32)
    ew = edge_weight.astype(jnp.float32)

    pad = E_PAD - N_EDGES
    src = jnp.concatenate([src, jnp.zeros((pad,), jnp.int32)])
    dst = jnp.concatenate([dst, jnp.zeros((pad,), jnp.int32)])
    ew = jnp.concatenate([ew, jnp.zeros((pad,), jnp.float32)])
    srcs2 = jnp.stack([src, src + N_NODES])
    wbits = lax.bitcast_convert_type(ew, jnp.int32)
    n_chunks_tot = E_PAD // CHUNK
    edata = jnp.stack([
        srcs2,
        jnp.broadcast_to(dst, (NUM_CORES, E_PAD)),
        jnp.broadcast_to(wbits, (NUM_CORES, E_PAD)),
    ], axis=1)
    edata = edata.reshape(NUM_CORES, 3, n_chunks_tot, CHUNK)
    edata = edata.transpose(0, 2, 1, 3)

    w2 = W.T.reshape(IN_FT, NUM_CORES, HALF_FT).transpose(1, 0, 2)
    seqfts = _tc_matmul(seq, w2)

    bias2 = bias.reshape(NUM_CORES, HALF_FT)
    prelu16 = jnp.broadcast_to(prelu_a.reshape(1), (LANES,)).astype(jnp.float32)

    out = _sc_agg(seqfts, edata, bias2, prelu16)
    return out[:N_NODES]

# --- scband reference (transcript-rebuilt; emitter-appended) ---
"""Pipeline reference for scband-gcn-2559800508647 (READ-ONLY COPY).

The authoritative reference and input builder live on the scoring server;
editing this copy changes nothing except your own understanding.
"""

import jax, jax.numpy as jnp
import numpy as np

N_NODES = 10000
N_EDGES = 160000
IN_FT = 256
OUT_FT = 256


def setup_inputs(seed: int = 0) -> dict:
    key = jax.random.key(seed)
    k1, k2, k3, k4 = jax.random.split(key, 4)
    seq = jax.random.normal(k1, (N_NODES, IN_FT), dtype=jnp.float32)
    edge_index = jax.random.randint(k2, (2, N_EDGES), 0, N_NODES, dtype=jnp.int64)
    edge_weight = jax.random.uniform(k3, (N_EDGES,), dtype=jnp.float32)
    # xavier_uniform init for fc.weight (shape [out_ft, in_ft], no bias)
    limit = float(np.sqrt(6.0 / (IN_FT + OUT_FT)))
    W = jax.random.uniform(k4, (OUT_FT, IN_FT), dtype=jnp.float32, minval=-limit, maxval=limit)
    bias = jnp.zeros((OUT_FT,), dtype=jnp.float32)
    prelu_a = jnp.asarray(0.25, dtype=jnp.float32)  # nn.PReLU default single param
    return {"seq": seq, "edge_index": edge_index, "edge_weight": edge_weight,
            "W": W, "bias": bias, "prelu_a": prelu_a}


def reference(seq, edge_index, edge_weight, W, bias, prelu_a):
    # seq_fts = self.fc(seq)  (Linear, no bias)
    seq_fts = seq @ W.T
    # out = torch.spmm(adj, seq_fts) with sparse adjacency given as
    # (edge_index, edge_weight): out[dst] += w * seq_fts[src]
    src = edge_index[0]
    dst = edge_index[1]
    gathered = jnp.take(seq_fts, src, axis=0) * edge_weight[:, None]
    out = jax.ops.segment_sum(gathered, dst, num_segments=seq.shape[0])
    # out += self.bias
    out = out + bias
    # self.act = nn.PReLU()
    out = jnp.where(out > 0, out, prelu_a * out)
    return out

if __name__ == "__main__":
    import jax
    _d = setup_inputs()
    print(jax.jit(kernel)(*tuple(_d.values())))

</pallas_src>

<mosaic_0001>
#map = affine_map<(d0, d1) -> (0, 0)>
#map1 = affine_map<(d0, d1) -> (0, 0, 0, 0)>
#map2 = affine_map<(d0, d1) -> (0)>
module attributes {stable_mosaic.version = 14 : i64} {
  func.func @_sc_body(%arg0: i32, %arg1: i32, %arg2: memref<20000x128xf32, #tpu.memory_space<hbm>>, %arg3: memref<2x1264x3x128xi32, #tpu.memory_space<hbm>>, %arg4: memref<2x128xf32, #tpu.memory_space<hbm>>, %arg5: memref<16xf32, #tpu.memory_space<hbm>>, %arg6: memref<10240x256xf32, #tpu.memory_space<hbm>>, %arg7: memref<9x128xi32, #tpu.memory_space<vmem>>, %arg8: memref<256x128xf32, #tpu.memory_space<vmem>>, %arg9: memref<128xf32, #tpu.memory_space<vmem>>, %arg10: memref<16xf32, #tpu.memory_space<vmem>>, %arg11: memref<10240x128xf32, #tpu.memory_space<vmem_shared>>, %arg12: memref<!tpu.dma_semaphore, #tpu.memory_space<semaphore_mem>>, %arg13: memref<!tpu.dma_semaphore, #tpu.memory_space<semaphore_mem>>, %arg14: memref<!tpu.dma_semaphore, #tpu.memory_space<semaphore_mem>>) attributes {dimension_semantics = [#tpu.dimension_semantics<core_parallel>, #tpu.dimension_semantics<subcore_parallel>], iteration_bounds = array<i64: 2, 16>, scalar_prefetch = 0 : i64, scratch_operands = 8 : i64, tpu.core_type = #tpu.core_type<sc_vector_subcore>, window_params = [{transform_indices = #map}, {transform_indices = #map1}, {transform_indices = #map}, {transform_indices = #map2}, {transform_indices = #map}]} {
    %broadcast_in_dim3A = arith.constant 0.000000e+00 : f32
    %broadcast_in_dim3A_0 = vector.broadcast %broadcast_in_dim3A : f32 to vector<16xf32>
    %scan3A = arith.constant 0 : i32
    %scan3A_1 = arith.constant 0 : i32
    %scan3A_2 = arith.constant 128 : i32
    %scan3A_3 = arith.addi %scan3A_1, %scan3A_2 : i32
    %scan3A_4 = arith.constant 1 : i32
    scf.for %scan3A_122 = %scan3A_1 to %scan3A_3 step %scan3A_4  : i32 {
      %swap3A = arith.index_cast %scan3A_122 : i32 to index
      %swap3A_123 = arith.constant 0 : index
      %swap3A_124 = tpu.vector_load %arg8[%swap3A, %swap3A_123] {strides = array<i32>} : memref<256x128xf32, #tpu.memory_space<vmem>>, vector<16xf32>,
      tpu.vector_store %arg8[%swap3A, %swap3A_123], %broadcast_in_dim3A_0 {strides = array<i32>} : memref<256x128xf32, #tpu.memory_space<vmem>>, vector<16xf32>,
      %swap3A_125 = arith.index_cast %scan3A_122 : i32 to index
      %swap3A_126 = arith.constant 16 : index
      %swap3A_127 = tpu.vector_load %arg8[%swap3A_125, %swap3A_126] {strides = array<i32>} : memref<256x128xf32, #tpu.memory_space<vmem>>, vector<16xf32>,
      tpu.vector_store %arg8[%swap3A_125, %swap3A_126], %broadcast_in_dim3A_0 {strides = array<i32>} : memref<256x128xf32, #tpu.memory_space<vmem>>, vector<16xf32>,
      %swap3A_128 = arith.index_cast %scan3A_122 : i32 to index
      %swap3A_129 = arith.constant 32 : index
      %swap3A_130 = tpu.vector_load %arg8[%swap3A_128, %swap3A_129] {strides = array<i32>} : memref<256x128xf32, #tpu.memory_space<vmem>>, vector<16xf32>,
      tpu.vector_store %arg8[%swap3A_128, %swap3A_129], %broadcast_in_dim3A_0 {strides = array<i32>} : memref<256x128xf32, #tpu.memory_space<vmem>>, vector<16xf32>,
      %swap3A_131 = arith.index_cast %scan3A_122 : i32 to index
      %swap3A_132 = arith.constant 48 : index
      %swap3A_133 = tpu.vector_load %arg8[%swap3A_131, %swap3A_132] {strides = array<i32>} : memref<256x128xf32, #tpu.memory_space<vmem>>, vector<16xf32>,
      tpu.vector_store %arg8[%swap3A_131, %swap3A_132], %broadcast_in_dim3A_0 {strides = array<i32>} : memref<256x128xf32, #tpu.memory_space<vmem>>, vector<16xf32>,
      %swap3A_134 = arith.index_cast %scan3A_122 : i32 to index
      %swap3A_135 = arith.constant 64 : index
      %swap3A_136 = tpu.vector_load %arg8[%swap3A_134, %swap3A_135] {strides = array<i32>} : memref<256x128xf32, #tpu.memory_space<vmem>>, vector<16xf32>,
      tpu.vector_store %arg8[%swap3A_134, %swap3A_135], %broadcast_in_dim3A_0 {strides = array<i32>} : memref<256x128xf32, #tpu.memory_space<vmem>>, vector<16xf32>,
      %swap3A_137 = arith.index_cast %scan3A_122 : i32 to index
      %swap3A_138 = arith.constant 80 : index
      %swap3A_139 = tpu.vector_load %arg8[%swap3A_137, %swap3A_138] {strides = array<i32>} : memref<256x128xf32, #tpu.memory_space<vmem>>, vector<16xf32>,
      tpu.vector_store %arg8[%swap3A_137, %swap3A_138], %broadcast_in_dim3A_0 {strides = array<i32>} : memref<256x128xf32, #tpu.memory_space<vmem>>, vector<16xf32>,
      %swap3A_140 = arith.index_cast %scan3A_122 : i32 to index
      %swap3A_141 = arith.constant 96 : index
      %swap3A_142 = tpu.vector_load %arg8[%swap3A_140, %swap3A_141] {strides = array<i32>} : memref<256x128xf32, #tpu.memory_space<vmem>>, vector<16xf32>,
      tpu.vector_store %arg8[%swap3A_140, %swap3A_141], %broadcast_in_dim3A_0 {strides = array<i32>} : memref<256x128xf32, #tpu.memory_space<vmem>>, vector<16xf32>,
      %swap3A_143 = arith.index_cast %scan3A_122 : i32 to index
      %swap3A_144 = arith.constant 112 : index
      %swap3A_145 = tpu.vector_load %arg8[%swap3A_143, %swap3A_144] {strides = array<i32>} : memref<256x128xf32, #tpu.memory_space<vmem>>, vector<16xf32>,
      tpu.vector_store %arg8[%swap3A_143, %swap3A_144], %broadcast_in_dim3A_0 {strides = array<i32>} : memref<256x128xf32, #tpu.memory_space<vmem>>, vector<16xf32>,
    }
    %scan3A_5 = arith.constant 128 : i32
    %mul3A = arith.constant 640 : i32
    %mul3A_6 = arith.muli %arg1, %mul3A : i32
    %scan3A_7 = arith.constant 0 : i32
    %scan3A_8 = arith.constant 0 : i32
    %scan3A_9 = arith.constant 5 : i32
    %scan3A_10 = arith.addi %scan3A_8, %scan3A_9 : i32
    %scan3A_11 = arith.constant 1 : i32
    scf.for %scan3A_122 = %scan3A_8 to %scan3A_10 step %scan3A_11  : i32 {
      %mul3A_123 = arith.constant 128 : i32
      %mul3A_124 = arith.muli %scan3A_122, %mul3A_123 : i32
      %add3A_125 = arith.addi %mul3A_6, %mul3A_124 : i32
      "tpu.region"() ({
        %run_scoped3A = tpu.sem_alloc : memref<!tpu.dma_semaphore, #tpu.memory_space<semaphore_mem>>
        %dma_start3A_126 = arith.constant 0 : i32
        %dma_start3A_127 = arith.constant 0 : i32
        %dma_start3A_128 = tpu.memref_slice %arg8[%dma_start3A_126, %dma_start3A_127] : memref<256x128xf32, #tpu.memory_space<vmem>> -> memref<128x128xf32, #tpu.memory_space<vmem>>
        %dma_start3A_129 = arith.constant 0 : i32
        %dma_start3A_130 = tpu.memref_slice %arg11[%add3A_125, %dma_start3A_129] : memref<10240x128xf32, #tpu.memory_space<vmem_shared>> -> memref<128x128xf32, #tpu.memory_space<vmem_shared>>
        %dma_start3A_131 = arith.constant 0 : i32
        %dma_start3A_132 = tpu.memref_slice %arg11[%add3A_125, %dma_start3A_131] : memref<10240x128xf32, #tpu.memory_space<vmem_shared>> -> memref<128x128xf32, #tpu.memory_space<vmem_shared>>
        %dma_start3A_133 = arith.constant 0 : i32
        %dma_start3A_134 = arith.constant 0 : i32
        %dma_start3A_135 = tpu.memref_slice %arg8[%dma_start3A_133, %dma_start3A_134] : memref<256x128xf32, #tpu.memory_space<vmem>> -> memref<128x128xf32, #tpu.memory_space<vmem>>
        tpu.enqueue_dma source(%dma_start3A_135 : memref<128x128xf32, #tpu.memory_space<vmem>>) target(%dma_start3A_132 : memref<128x128xf32, #tpu.memory_space<vmem_shared>>) target_semaphore(%run_scoped3A : memref<!tpu.dma_semaphore, #tpu.memory_space<semaphore_mem>>)
        %dma_wait3A_136 = arith.constant 0 : i32
        %dma_wait3A_137 = arith.constant 0 : i32
        %dma_wait3A_138 = tpu.memref_slice %arg8[%dma_wait3A_136, %dma_wait3A_137] : memref<256x128xf32, #tpu.memory_space<vmem>> -> memref<128x128xf32, #tpu.memory_space<vmem>>
        %dma_wait3A_139 = arith.constant 0 : i32
        %dma_wait3A_140 = tpu.memref_slice %arg11[%add3A_125, %dma_wait3A_139] : memref<10240x128xf32, #tpu.memory_space<vmem_shared>> -> memref<128x128xf32, #tpu.memory_space<vmem_shared>>
        %dma_wait3A_141 = arith.constant 0 : i32
        %dma_wait3A_142 = tpu.memref_slice %arg11[%add3A_125, %dma_wait3A_141] : memref<10240x128xf32, #tpu.memory_space<vmem_shared>> -> memref<128x128xf32, #tpu.memory_space<vmem_shared>>
        %dma_wait3A_143 = arith.constant 0 : i32
        %dma_wait3A_144 = arith.constant 0 : i32
        %dma_wait3A_145 = tpu.memref_slice %arg8[%dma_wait3A_143, %dma_wait3A_144] : memref<256x128xf32, #tpu.memory_space<vmem>> -> memref<128x128xf32, #tpu.memory_space<vmem>>
        tpu.wait_dma2 semaphore(%run_scoped3A : memref<!tpu.dma_semaphore, #tpu.memory_space<semaphore_mem>>) src(%dma_wait3A_145 : memref<128x128xf32, #tpu.memory_space<vmem>>) dst(%dma_wait3A_142 : memref<128x128xf32, #tpu.memory_space<vmem_shared>>)
        tpu.yield
      }) : () -> ()
    }
    %scan3A_12 = arith.constant 5 : i32
    %barrier3A = arith.constant 0 : index
    tpu.barrier barrier_id(%barrier3A)
    %mul3A_13 = arith.constant 79 : i32
    %mul3A_14 = arith.muli %arg1, %mul3A_13 : i32
    %dma_start3A = arith.constant 128 : i32
    %dma_start3A_15 = arith.constant 0 : i32
    %dma_start3A_16 = tpu.memref_slice %arg8[%dma_start3A, %dma_start3A_15] : memref<256x128xf32, #tpu.memory_space<vmem>> -> memref<128x128xf32, #tpu.memory_space<vmem>>
    %dma_start3A_17 = arith.constant 0 : i32
    %dma_start3A_18 = arith.constant 0 : i32
    %dma_start3A_19 = tpu.memref_slice %arg2[%dma_start3A_17, %dma_start3A_18] : memref<20000x128xf32, #tpu.memory_space<hbm>> -> memref<128x128xf32, #tpu.memory_space<hbm>>
    %dma_start3A_20 = arith.constant 128 : i32
    %dma_start3A_21 = arith.constant 0 : i32
    %dma_start3A_22 = tpu.memref_slice %arg8[%dma_start3A_20, %dma_start3A_21] : memref<256x128xf32, #tpu.memory_space<vmem>> -> memref<128x128xf32, #tpu.memory_space<vmem>>
    %dma_start3A_23 = arith.constant 0 : i32
    %dma_start3A_24 = arith.constant 0 : i32
    %dma_start3A_25 = tpu.memref_slice %arg2[%dma_start3A_23, %dma_start3A_24] : memref<20000x128xf32, #tpu.memory_space<hbm>> -> memref<128x128xf32, #tpu.memory_space<hbm>>
    tpu.enqueue_dma source(%dma_start3A_25 : memref<128x128xf32, #tpu.memory_space<hbm>>) target(%dma_start3A_22 : memref<128x128xf32, #tpu.memory_space<vmem>>) target_semaphore(%arg13 : memref<!tpu.dma_semaphore, #tpu.memory_space<semaphore_mem>>)
    "tpu.region"() ({
      %run_scoped3A = tpu.sem_alloc : memref<!tpu.dma_semaphore, #tpu.memory_space<semaphore_mem>>
      %dma_start3A_122 = arith.constant 0 : i32
      %dma_start3A_123 = arith.constant 0 : i32
      %dma_start3A_124 = tpu.memref_slice %arg7[%dma_start3A_122, %dma_start3A_123] : memref<9x128xi32, #tpu.memory_space<vmem>> -> memref<3x128xi32, #tpu.memory_space<vmem>>
      %dma_start3A_125 = arith.constant 0 : i32
      %dma_start3A_126 = arith.constant 0 : i32
      %dma_start3A_127 = tpu.memref_slice %arg3[%arg0, %mul3A_14, %dma_start3A_125, %dma_start3A_126] : memref<2x1264x3x128xi32, #tpu.memory_space<hbm>> -> memref<1x1x3x128xi32, #tpu.memory_space<hbm>>
      %dma_start3A_128 = tpu.memref_squeeze %dma_start3A_127 : memref<1x1x3x128xi32, #tpu.memory_space<hbm>> -> memref<3x128xi32, #tpu.memory_space<hbm>>
      %dma_start3A_129 = arith.constant 0 : i32
      %dma_start3A_130 = arith.constant 0 : i32
      %dma_start3A_131 = tpu.memref_slice %arg7[%dma_start3A_129, %dma_start3A_130] : memref<9x128xi32, #tpu.memory_space<vmem>> -> memref<3x128xi32, #tpu.memory_space<vmem>>
      %dma_start3A_132 = arith.constant 0 : i32
      %dma_start3A_133 = arith.constant 0 : i32
      %dma_start3A_134 = tpu.memref_slice %arg3[%arg0, %mul3A_14, %dma_start3A_132, %dma_start3A_133] : memref<2x1264x3x128xi32, #tpu.memory_space<hbm>> -> memref<1x1x3x128xi32, #tpu.memory_space<hbm>>
      %dma_start3A_135 = tpu.memref_squeeze %dma_start3A_134 : memref<1x1x3x128xi32, #tpu.memory_space<hbm>> -> memref<3x128xi32, #tpu.memory_space<hbm>>
      tpu.enqueue_dma source(%dma_start3A_135 : memref<3x128xi32, #tpu.memory_space<hbm>>) target(%dma_start3A_131 : memref<3x128xi32, #tpu.memory_space<vmem>>) target_semaphore(%run_scoped3A : memref<!tpu.dma_semaphore, #tpu.memory_space<semaphore_mem>>)
      %dma_wait3A_136 = arith.constant 0 : i32
      %dma_wait3A_137 = arith.constant 0 : i32
      %dma_wait3A_138 = tpu.memref_slice %arg7[%dma_wait3A_136, %dma_wait3A_137] : memref<9x128xi32, #tpu.memory_space<vmem>> -> memref<3x128xi32, #tpu.memory_space<vmem>>
      %dma_wait3A_139 = arith.constant 0 : i32
      %dma_wait3A_140 = arith.constant 0 : i32
      %dma_wait3A_141 = tpu.memref_slice %arg3[%arg0, %mul3A_14, %dma_wait3A_139, %dma_wait3A_140] : memref<2x1264x3x128xi32, #tpu.memory_space<hbm>> -> memref<1x1x3x128xi32, #tpu.memory_space<hbm>>
      %dma_wait3A_142 = tpu.memref_squeeze %dma_wait3A_141 : memref<1x1x3x128xi32, #tpu.memory_space<hbm>> -> memref<3x128xi32, #tpu.memory_space<hbm>>
      %dma_wait3A_143 = arith.constant 0 : i32
      %dma_wait3A_144 = arith.constant 0 : i32
      %dma_wait3A_145 = tpu.memref_slice %arg7[%dma_wait3A_143, %dma_wait3A_144] : memref<9x128xi32, #tpu.memory_space<vmem>> -> memref<3x128xi32, #tpu.memory_space<vmem>>
      %dma_wait3A_146 = arith.constant 0 : i32
      %dma_wait3A_147 = arith.constant 0 : i32
      %dma_wait3A_148 = tpu.memref_slice %arg3[%arg0, %mul3A_14, %dma_wait3A_146, %dma_wait3A_147] : memref<2x1264x3x128xi32, #tpu.memory_space<hbm>> -> memref<1x1x3x128xi32, #tpu.memory_space<hbm>>
      %dma_wait3A_149 = tpu.memref_squeeze %dma_wait3A_148 : memref<1x1x3x128xi32, #tpu.memory_space<hbm>> -> memref<3x128xi32, #tpu.memory_space<hbm>>
      tpu.wait_dma2 semaphore(%run_scoped3A : memref<!tpu.dma_semaphore, #tpu.memory_space<semaphore_mem>>) src(%dma_wait3A_149 : memref<3x128xi32, #tpu.memory_space<hbm>>) dst(%dma_wait3A_145 : memref<3x128xi32, #tpu.memory_space<vmem>>)
      tpu.yield
    }) : () -> ()
    %dma_start3A_26 = arith.constant 0 : i32
    %dma_start3A_27 = arith.constant 0 : i32
    %dma_start3A_28 = arith.constant 0 : i32
    %dma_start3A_29 = tpu.memref_slice %arg8[%dma_start3A_27, %dma_start3A_28] : memref<256x128xf32, #tpu.memory_space<vmem>> -> memref<128x128xf32, #tpu.memory_space<vmem>>
    %dma_start3A_30 = arith.constant 0 : i32
    %dma_start3A_31 = tpu.memref_slice %arg7[%dma_start3A_26, %dma_start3A_30] : memref<9x128xi32, #tpu.memory_space<vmem>> -> memref<1x128xi32, #tpu.memory_space<vmem>>
    %dma_start3A_32 = tpu.memref_squeeze %dma_start3A_31 : memref<1x128xi32, #tpu.memory_space<vmem>> -> memref<128xi32, #tpu.memory_space<vmem>>
    %dma_start3A_33 = arith.constant 0 : i32
    %dma_start3A_34 = arith.constant 0 : i32
    %dma_start3A_35 = tpu.memref_slice %arg2[%dma_start3A_33, %dma_start3A_34] : memref<20000x128xf32, #tpu.memory_space<hbm>> -> memref<20000x128xf32, #tpu.memory_space<hbm>>
    tpu.enqueue_indirect_dma source(%dma_start3A_35 : memref<20000x128xf32, #tpu.memory_space<hbm>>) target(%dma_start3A_29 : memref<128x128xf32, #tpu.memory_space<vmem>>) offsets(%dma_start3A_32 : memref<128xi32, #tpu.memory_space<vmem>>) semaphore(%arg12 : memref<!tpu.dma_semaphore, #tpu.memory_space<semaphore_mem>>)
    %add3A = arith.constant 1 : i32
    %add3A_36 = arith.addi %mul3A_14, %add3A : i32
    %add3A_37 = arith.constant 79 : i32
    %add3A_38 = arith.addi %mul3A_14, %add3A_37 : i32
    %sub3A = arith.constant 1 : i32
    %sub3A_39 = arith.subi %add3A_38, %sub3A : i32
    %min3A = arith.minsi %add3A_36, %sub3A_39 : i32
    %dma_start3A_40 = arith.constant 3 : i32
    %dma_start3A_41 = arith.constant 0 : i32
    %dma_start3A_42 = tpu.memref_slice %arg7[%dma_start3A_40, %dma_start3A_41] : memref<9x128xi32, #tpu.memory_space<vmem>> -> memref<3x128xi32, #tpu.memory_space<vmem>>
    %dma_start3A_43 = arith.constant 0 : i32
    %dma_start3A_44 = arith.constant 0 : i32
    %dma_start3A_45 = tpu.memref_slice %arg3[%arg0, %min3A, %dma_start3A_43, %dma_start3A_44] : memref<2x1264x3x128xi32, #tpu.memory_space<hbm>> -> memref<1x1x3x128xi32, #tpu.memory_space<hbm>>
    %dma_start3A_46 = tpu.memref_squeeze %dma_start3A_45 : memref<1x1x3x128xi32, #tpu.memory_space<hbm>> -> memref<3x128xi32, #tpu.memory_space<hbm>>
    %dma_start3A_47 = arith.constant 3 : i32
    %dma_start3A_48 = arith.constant 0 : i32
    %dma_start3A_49 = tpu.memref_slice %arg7[%dma_start3A_47, %dma_start3A_48] : memref<9x128xi32, #tpu.memory_space<vmem>> -> memref<3x128xi32, #tpu.memory_space<vmem>>
    %dma_start3A_50 = arith.constant 0 : i32
    %dma_start3A_51 = arith.constant 0 : i32
    %dma_start3A_52 = tpu.memref_slice %arg3[%arg0, %min3A, %dma_start3A_50, %dma_start3A_51] : memref<2x1264x3x128xi32, #tpu.memory_space<hbm>> -> memref<1x1x3x128xi32, #tpu.memory_space<hbm>>
    %dma_start3A_53 = tpu.memref_squeeze %dma_start3A_52 : memref<1x1x3x128xi32, #tpu.memory_space<hbm>> -> memref<3x128xi32, #tpu.memory_space<hbm>>
    tpu.enqueue_dma source(%dma_start3A_53 : memref<3x128xi32, #tpu.memory_space<hbm>>) target(%dma_start3A_49 : memref<3x128xi32, #tpu.memory_space<vmem>>) target_semaphore(%arg14 : memref<!tpu.dma_semaphore, #tpu.memory_space<semaphore_mem>>)
    %scan3A_54 = arith.constant 0 : i32
    %scan3A_55 = arith.constant 0 : i32
    %scan3A_56 = arith.constant 79 : i32
    %scan3A_57 = arith.addi %scan3A_55, %scan3A_56 : i32
    %scan3A_58 = arith.constant 1 : i32
    scf.for %scan3A_122 = %scan3A_55 to %scan3A_57 step %scan3A_58  : i32 {
      %jit3A = arith.constant 2 : i32
      %eq3A = arith.constant 0 : i32
      %eq3A_123 = arith.cmpi eq, %jit3A, %eq3A : i32
      %jit3A_124 = arith.constant 1 : i32
      %select_n3A = arith.select %eq3A_123, %jit3A_124, %jit3A : i32
      %rem3A = arith.remsi %scan3A_122, %select_n3A : i32
      %ne3A = arith.constant 0 : i32
      %ne3A_125 = arith.cmpi ne, %rem3A, %ne3A : i32
      %lt3A = arith.constant 0 : i32
      %lt3A_126 = arith.cmpi slt, %rem3A, %lt3A : i32
      %lt3A_127 = arith.constant 0 : i32
      %lt3A_128 = arith.cmpi slt, %select_n3A, %lt3A_127 : i32
      %ne3A_129 = arith.xori %lt3A_126, %lt3A_128 : i1
      %and3A = arith.andi %ne3A_129, %ne3A_125 : i1
      %add3A_130 = arith.addi %rem3A, %select_n3A : i32
      %select_n3A_131 = arith.select %and3A, %add3A_130, %rem3A : i32
      %jit3A_132 = arith.constant 3 : i32
      %eq3A_133 = arith.constant 0 : i32
      %eq3A_134 = arith.cmpi eq, %jit3A_132, %eq3A_133 : i32
      %jit3A_135 = arith.constant 1 : i32
      %select_n3A_136 = arith.select %eq3A_134, %jit3A_135, %jit3A_132 : i32
      %rem3A_137 = arith.remsi %scan3A_122, %select_n3A_136 : i32
      %ne3A_138 = arith.constant 0 : i32
      %ne3A_139 = arith.cmpi ne, %rem3A_137, %ne3A_138 : i32
      %lt3A_140 = arith.constant 0 : i32
      %lt3A_141 = arith.cmpi slt, %rem3A_137, %lt3A_140 : i32
      %lt3A_142 = arith.constant 0 : i32
      %lt3A_143 = arith.cmpi slt, %select_n3A_136, %lt3A_142 : i32
      %ne3A_144 = arith.xori %lt3A_141, %lt3A_143 : i1
      %and3A_145 = arith.andi %ne3A_144, %ne3A_139 : i1
      %add3A_146 = arith.addi %rem3A_137, %select_n3A_136 : i32
      %select_n3A_147 = arith.select %and3A_145, %add3A_146, %rem3A_137 : i32
      %mul3A_148 = arith.constant 3 : i32
      %mul3A_149 = arith.muli %select_n3A_147, %mul3A_148 : i32
      %add3A_150 = arith.constant 1 : i32
      %add3A_151 = arith.addi %scan3A_122, %add3A_150 : i32
      %jit3A_152 = arith.constant 3 : i32
      %eq3A_153 = arith.constant 0 : i32
      %eq3A_154 = arith.cmpi eq, %jit3A_152, %eq3A_153 : i32
      %jit3A_155 = arith.constant 1 : i32
      %select_n3A_156 = arith.select %eq3A_154, %jit3A_155, %jit3A_152 : i32
      %rem3A_157 = arith.remsi %add3A_151, %select_n3A_156 : i32
      %ne3A_158 = arith.constant 0 : i32
      %ne3A_159 = arith.cmpi ne, %rem3A_157, %ne3A_158 : i32
      %lt3A_160 = arith.constant 0 : i32
      %lt3A_161 = arith.cmpi slt, %rem3A_157, %lt3A_160 : i32
      %lt3A_162 = arith.constant 0 : i32
      %lt3A_163 = arith.cmpi slt, %select_n3A_156, %lt3A_162 : i32
      %ne3A_164 = arith.xori %lt3A_161, %lt3A_163 : i1
      %and3A_165 = arith.andi %ne3A_164, %ne3A_159 : i1
      %add3A_166 = arith.addi %rem3A_157, %select_n3A_156 : i32
      %select_n3A_167 = arith.select %and3A_165, %add3A_166, %rem3A_157 : i32
      %mul3A_168 = arith.constant 3 : i32
      %mul3A_169 = arith.muli %select_n3A_167, %mul3A_168 : i32
      %add3A_170 = arith.constant 2 : i32
      %add3A_171 = arith.addi %scan3A_122, %add3A_170 : i32
      %jit3A_172 = arith.constant 3 : i32
      %eq3A_173 = arith.constant 0 : i32
      %eq3A_174 = arith.cmpi eq, %jit3A_172, %eq3A_173 : i32
      %jit3A_175 = arith.constant 1 : i32
      %select_n3A_176 = arith.select %eq3A_174, %jit3A_175, %jit3A_172 : i32
      %rem3A_177 = arith.remsi %add3A_171, %select_n3A_176 : i32
      %ne3A_178 = arith.constant 0 : i32
      %ne3A_179 = arith.cmpi ne, %rem3A_177, %ne3A_178 : i32
      %lt3A_180 = arith.constant 0 : i32
      %lt3A_181 = arith.cmpi slt, %rem3A_177, %lt3A_180 : i32
      %lt3A_182 = arith.constant 0 : i32
      %lt3A_183 = arith.cmpi slt, %select_n3A_176, %lt3A_182 : i32
      %ne3A_184 = arith.xori %lt3A_181, %lt3A_183 : i1
      %and3A_185 = arith.andi %ne3A_184, %ne3A_179 : i1
      %add3A_186 = arith.addi %rem3A_177, %select_n3A_176 : i32
      %select_n3A_187 = arith.select %and3A_185, %add3A_186, %rem3A_177 : i32
      %mul3A_188 = arith.constant 3 : i32
      %mul3A_189 = arith.muli %select_n3A_187, %mul3A_188 : i32
      %mul3A_190 = arith.constant 128 : i32
      %mul3A_191 = arith.muli %select_n3A_131, %mul3A_190 : i32
      %sub3A_192 = arith.constant 1 : i32
      %sub3A_193 = arith.subi %sub3A_192, %select_n3A_131 : i32
      %mul3A_194 = arith.constant 128 : i32
      %mul3A_195 = arith.muli %sub3A_193, %mul3A_194 : i32
      %dma_wait3A_196 = arith.constant 0 : i32
      %dma_wait3A_197 = tpu.memref_slice %arg8[%mul3A_191, %dma_wait3A_196] : memref<256x128xf32, #tpu.memory_space<vmem>> -> memref<128x128xf32, #tpu.memory_space<vmem>>
      %dma_wait3A_198 = arith.constant 0 : i32
      %dma_wait3A_199 = arith.constant 0 : i32
      %dma_wait3A_200 = tpu.memref_slice %arg2[%dma_wait3A_198, %dma_wait3A_199] : memref<20000x128xf32, #tpu.memory_space<hbm>> -> memref<128x128xf32, #tpu.memory_space<hbm>>
      %dma_wait3A_201 = arith.constant 0 : i32
      %dma_wait3A_202 = tpu.memref_slice %arg8[%mul3A_191, %dma_wait3A_201] : memref<256x128xf32, #tpu.memory_space<vmem>> -> memref<128x128xf32, #tpu.memory_space<vmem>>
      %dma_wait3A_203 = arith.constant 0 : i32
      %dma_wait3A_204 = arith.constant 0 : i32
      %dma_wait3A_205 = tpu.memref_slice %arg2[%dma_wait3A_203, %dma_wait3A_204] : memref<20000x128xf32, #tpu.memory_space<hbm>> -> memref<128x128xf32, #tpu.memory_space<hbm>>
      tpu.wait_dma2 semaphore(%arg13 : memref<!tpu.dma_semaphore, #tpu.memory_space<semaphore_mem>>) src(%dma_wait3A_205 : memref<128x128xf32, #tpu.memory_space<hbm>>) dst(%dma_wait3A_202 : memref<128x128xf32, #tpu.memory_space<vmem>>)
      %dma_wait3A_206 = arith.constant 0 : i32
      %dma_wait3A_207 = arith.constant 0 : i32
      %dma_wait3A_208 = tpu.memref_slice %arg7[%mul3A_169, %dma_wait3A_207] : memref<9x128xi32, #tpu.memory_space<vmem>> -> memref<3x128xi32, #tpu.memory_space<vmem>>
      %dma_wait3A_209 = arith.constant 0 : i32
      %dma_wait3A_210 = arith.constant 0 : i32
      %dma_wait3A_211 = tpu.memref_slice %arg3[%arg0, %dma_wait3A_206, %dma_wait3A_209, %dma_wait3A_210] : memref<2x1264x3x128xi32, #tpu.memory_space<hbm>> -> memref<1x1x3x128xi32, #tpu.memory_space<hbm>>
      %dma_wait3A_212 = tpu.memref_squeeze %dma_wait3A_211 : memref<1x1x3x128xi32, #tpu.memory_space<hbm>> -> memref<3x128xi32, #tpu.memory_space<hbm>>
      %dma_wait3A_213 = arith.constant 0 : i32
      %dma_wait3A_214 = tpu.memref_slice %arg7[%mul3A_169, %dma_wait3A_213] : memref<9x128xi32, #tpu.memory_space<vmem>> -> memref<3x128xi32, #tpu.memory_space<vmem>>
      %dma_wait3A_215 = arith.constant 0 : i32
      %dma_wait3A_216 = arith.constant 0 : i32
      %dma_wait3A_217 = tpu.memref_slice %arg3[%arg0, %dma_wait3A_206, %dma_wait3A_215, %dma_wait3A_216] : memref<2x1264x3x128xi32, #tpu.memory_space<hbm>> -> memref<1x1x3x128xi32, #tpu.memory_space<hbm>>
      %dma_wait3A_218 = tpu.memref_squeeze %dma_wait3A_217 : memref<1x1x3x128xi32, #tpu.memory_space<hbm>> -> memref<3x128xi32, #tpu.memory_space<hbm>>
      tpu.wait_dma2 semaphore(%arg14 : memref<!tpu.dma_semaphore, #tpu.memory_space<semaphore_mem>>) src(%dma_wait3A_218 : memref<3x128xi32, #tpu.memory_space<hbm>>) dst(%dma_wait3A_214 : memref<3x128xi32, #tpu.memory_space<vmem>>)
      %add3A_219 = arith.addi %mul3A_14, %scan3A_122 : i32
      %add3A_220 = arith.constant 2 : i32
      %add3A_221 = arith.addi %add3A_219, %add3A_220 : i32
      %min3A_222 = arith.constant 1263 : i32
      %min3A_223 = arith.minsi %add3A_221, %min3A_222 : i32
      %dma_start3A_224 = arith.constant 0 : i32
      %dma_start3A_225 = tpu.memref_slice %arg7[%mul3A_189, %dma_start3A_224] : memref<9x128xi32, #tpu.memory_space<vmem>> -> memref<3x128xi32, #tpu.memory_space<vmem>>
      %dma_start3A_226 = arith.constant 0 : i32
      %dma_start3A_227 = arith.constant 0 : i32
      %dma_start3A_228 = tpu.memref_slice %arg3[%arg0, %min3A_223, %dma_start3A_226, %dma_start3A_227] : memref<2x1264x3x128xi32, #tpu.memory_space<hbm>> -> memref<1x1x3x128xi32, #tpu.memory_space<hbm>>
      %dma_start3A_229 = tpu.memref_squeeze %dma_start3A_228 : memref<1x1x3x128xi32, #tpu.memory_space<hbm>> -> memref<3x128xi32, #tpu.memory_space<hbm>>
      %dma_start3A_230 = arith.constant 0 : i32
      %dma_start3A_231 = tpu.memref_slice %arg7[%mul3A_189, %dma_start3A_230] : memref<9x128xi32, #tpu.memory_space<vmem>> -> memref<3x128xi32, #tpu.memory_space<vmem>>
      %dma_start3A_232 = arith.constant 0 : i32
      %dma_start3A_233 = arith.constant 0 : i32
      %dma_start3A_234 = tpu.memref_slice %arg3[%arg0, %min3A_223, %dma_start3A_232, %dma_start3A_233] : memref<2x1264x3x128xi32, #tpu.memory_space<hbm>> -> memref<1x1x3x128xi32, #tpu.memory_space<hbm>>
      %dma_start3A_235 = tpu.memref_squeeze %dma_start3A_234 : memref<1x1x3x128xi32, #tpu.memory_space<hbm>> -> memref<3x128xi32, #tpu.memory_space<hbm>>
      tpu.enqueue_dma source(%dma_start3A_235 : memref<3x128xi32, #tpu.memory_space<hbm>>) target(%dma_start3A_231 : memref<3x128xi32, #tpu.memory_space<vmem>>) target_semaphore(%arg14 : memref<!tpu.dma_semaphore, #tpu.memory_space<semaphore_mem>>)
      %dma_wait3A_236 = arith.constant 0 : i32
      %dma_wait3A_237 = tpu.memref_slice %arg8[%mul3A_191, %dma_wait3A_236] : memref<256x128xf32, #tpu.memory_space<vmem>> -> memref<128x128xf32, #tpu.memory_space<vmem>>
      %dma_wait3A_238 = arith.constant 0 : i32
      %dma_wait3A_239 = arith.constant 0 : i32
      %dma_wait3A_240 = tpu.memref_slice %arg2[%dma_wait3A_238, %dma_wait3A_239] : memref<20000x128xf32, #tpu.memory_space<hbm>> -> memref<128x128xf32, #tpu.memory_space<hbm>>
      %dma_wait3A_241 = arith.constant 0 : i32
      %dma_wait3A_242 = tpu.memref_slice %arg8[%mul3A_191, %dma_wait3A_241] : memref<256x128xf32, #tpu.memory_space<vmem>> -> memref<128x128xf32, #tpu.memory_space<vmem>>
      %dma_wait3A_243 = arith.constant 0 : i32
      %dma_wait3A_244 = arith.constant 0 : i32
      %dma_wait3A_245 = tpu.memref_slice %arg2[%dma_wait3A_243, %dma_wait3A_244] : memref<20000x128xf32, #tpu.memory_space<hbm>> -> memref<128x128xf32, #tpu.memory_space<hbm>>
      tpu.wait_dma2 semaphore(%arg12 : memref<!tpu.dma_semaphore, #tpu.memory_space<semaphore_mem>>) src(%dma_wait3A_245 : memref<128x128xf32, #tpu.memory_space<hbm>>) dst(%dma_wait3A_242 : memref<128x128xf32, #tpu.memory_space<vmem>>)
      %dma_start3A_246 = arith.constant 0 : i32
      %dma_start3A_247 = arith.constant 0 : i32
      %dma_start3A_248 = tpu.memref_slice %arg8[%mul3A_195, %dma_start3A_247] : memref<256x128xf32, #tpu.memory_space<vmem>> -> memref<128x128xf32, #tpu.memory_space<vmem>>
      %dma_start3A_249 = arith.constant 0 : i32
      %dma_start3A_250 = tpu.memref_slice %arg7[%mul3A_169, %dma_start3A_249] : memref<9x128xi32, #tpu.memory_space<vmem>> -> memref<3x128xi32, #tpu.memory_space<vmem>>
      %dma_start3A_251 = arith.constant 0 : i32
      %dma_start3A_252 = tpu.memref_slice %dma_start3A_250[%dma_start3A_246, %dma_start3A_251] : memref<3x128xi32, #tpu.memory_space<vmem>> -> memref<1x128xi32, #tpu.memory_space<vmem>>
      %dma_start3A_253 = tpu.memref_squeeze %dma_start3A_252 : memref<1x128xi32, #tpu.memory_space<vmem>> -> memref<128xi32, #tpu.memory_space<vmem>>
      %dma_start3A_254 = arith.constant 0 : i32
      %dma_start3A_255 = arith.constant 0 : i32
      %dma_start3A_256 = tpu.memref_slice %arg2[%dma_start3A_254, %dma_start3A_255] : memref<20000x128xf32, #tpu.memory_space<hbm>> -> memref<20000x128xf32, #tpu.memory_space<hbm>>
      tpu.enqueue_indirect_dma source(%dma_start3A_256 : memref<20000x128xf32, #tpu.memory_space<hbm>>) target(%dma_start3A_248 : memref<128x128xf32, #tpu.memory_space<vmem>>) offsets(%dma_start3A_253 : memref<128xi32, #tpu.memory_space<vmem>>) semaphore(%arg12 : memref<!tpu.dma_semaphore, #tpu.memory_space<semaphore_mem>>)
      %add3A_257 = arith.constant 2 : i32
      %add3A_258 = arith.addi %mul3A_149, %add3A_257 : i32
      %broadcast_in_dim3A_259 = vector.broadcast %add3A_258 : i32 to vector<16xi32>
      %scan3A_260 = arith.constant 0 : i32
      %scan3A_261 = arith.constant 0 : i32
      %scan3A_262 = arith.constant 128 : i32
      %scan3A_263 = arith.addi %scan3A_261, %scan3A_262 : i32
      %scan3A_264 = arith.constant 1 : i32
      scf.for %scan3A_277 = %scan3A_261 to %scan3A_263 step %scan3A_264  : i32 {
        %broadcast_in_dim3A_278 = vector.broadcast %scan3A_277 : i32 to vector<16xi32>
        %gather3A = tpu.vector_load_idx %arg7[%broadcast_in_dim3A_259, %broadcast_in_dim3A_278] : memref<9x128xi32, #tpu.memory_space<vmem>>[vector<16xi32>, vector<16xi32>], vector<16xi32>,
        %bitcast3A = vector.bitcast %gather3A : vector<16xi32> to vector<16xf32>
        %add3A_279 = arith.addi %mul3A_191, %scan3A_277 : i32
        %get3A_280 = arith.index_cast %add3A_279 : i32 to index
        %get3A_281 = arith.constant 0 : index
        %get3A_282 = tpu.vector_load %arg8[%get3A_280, %get3A_281] {strides = array<i32>} : memref<256x128xf32, #tpu.memory_space<vmem>>, vector<16xf32>,
        %mul3A_283 = arith.mulf %get3A_282, %bitcast3A : vector<16xf32>
        %add3A_284 = arith.addi %mul3A_191, %scan3A_277 : i32
        %swap3A = arith.index_cast %add3A_284 : i32 to index
        %swap3A_285 = arith.constant 0 : index
        %swap3A_286 = tpu.vector_load %arg8[%swap3A, %swap3A_285] {strides = array<i32>} : memref<256x128xf32, #tpu.memory_space<vmem>>, vector<16xf32>,
        tpu.vector_store %arg8[%swap3A, %swap3A_285], %mul3A_283 {strides = array<i32>} : memref<256x128xf32, #tpu.memory_space<vmem>>, vector<16xf32>,
        %add3A_287 = arith.addi %mul3A_191, %scan3A_277 : i32
        %get3A_288 = arith.index_cast %add3A_287 : i32 to index
        %get3A_289 = arith.constant 16 : index
        %get3A_290 = tpu.vector_load %arg8[%get3A_288, %get3A_289] {strides = array<i32>} : memref<256x128xf32, #tpu.memory_space<vmem>>, vector<16xf32>,
        %mul3A_291 = arith.mulf %get3A_290, %bitcast3A : vector<16xf32>
        %add3A_292 = arith.addi %mul3A_191, %scan3A_277 : i32
        %swap3A_293 = arith.index_cast %add3A_292 : i32 to index
        %swap3A_294 = arith.constant 16 : index
        %swap3A_295 = tpu.vector_load %arg8[%swap3A_293, %swap3A_294] {strides = array<i32>} : memref<256x128xf32, #tpu.memory_space<vmem>>, vector<16xf32>,
        tpu.vector_store %arg8[%swap3A_293, %swap3A_294], %mul3A_291 {strides = array<i32>} : memref<256x128xf32, #tpu.memory_space<vmem>>, vector<16xf32>,
        %add3A_296 = arith.addi %mul3A_191, %scan3A_277 : i32
        %get3A_297 = arith.index_cast %add3A_296 : i32 to index
        %get3A_298 = arith.constant 32 : index
        %get3A_299 = tpu.vector_load %arg8[%get3A_297, %get3A_298] {strides = array<i32>} : memref<256x128xf32, #tpu.memory_space<vmem>>, vector<16xf32>,
        %mul3A_300 = arith.mulf %get3A_299, %bitcast3A : vector<16xf32>
        %add3A_301 = arith.addi %mul3A_191, %scan3A_277 : i32
        %swap3A_302 = arith.index_cast %add3A_301 : i32 to index
        %swap3A_303 = arith.constant 32 : index
        %swap3A_304 = tpu.vector_load %arg8[%swap3A_302, %swap3A_303] {strides = array<i32>} : memref<256x128xf32, #tpu.memory_space<vmem>>, vector<16xf32>,
        tpu.vector_store %arg8[%swap3A_302, %swap3A_303], %mul3A_300 {strides = array<i32>} : memref<256x128xf32, #tpu.memory_space<vmem>>, vector<16xf32>,
        %add3A_305 = arith.addi %mul3A_191, %scan3A_277 : i32
        %get3A_306 = arith.index_cast %add3A_305 : i32 to index
        %get3A_307 = arith.constant 48 : index
        %get3A_308 = tpu.vector_load %arg8[%get3A_306, %get3A_307] {strides = array<i32>} : memref<256x128xf32, #tpu.memory_space<vmem>>, vector<16xf32>,
        %mul3A_309 = arith.mulf %get3A_308, %bitcast3A : vector<16xf32>
        %add3A_310 = arith.addi %mul3A_191, %scan3A_277 : i32
        %swap3A_311 = arith.index_cast %add3A_310 : i32 to index
        %swap3A_312 = arith.constant 48 : index
        %swap3A_313 = tpu.vector_load %arg8[%swap3A_311, %swap3A_312] {strides = array<i32>} : memref<256x128xf32, #tpu.memory_space<vmem>>, vector<16xf32>,
        tpu.vector_store %arg8[%swap3A_311, %swap3A_312], %mul3A_309 {strides = array<i32>} : memref<256x128xf32, #tpu.memory_space<vmem>>, vector<16xf32>,
        %add3A_314 = arith.addi %mul3A_191, %scan3A_277 : i32
        %get3A_315 = arith.index_cast %add3A_314 : i32 to index
        %get3A_316 = arith.constant 64 : index
        %get3A_317 = tpu.vector_load %arg8[%get3A_315, %get3A_316] {strides = array<i32>} : memref<256x128xf32, #tpu.memory_space<vmem>>, vector<16xf32>,
        %mul3A_318 = arith.mulf %get3A_317, %bitcast3A : vector<16xf32>
        %add3A_319 = arith.addi %mul3A_191, %scan3A_277 : i32
        %swap3A_320 = arith.index_cast %add3A_319 : i32 to index
        %swap3A_321 = arith.constant 64 : index
        %swap3A_322 = tpu.vector_load %arg8[%swap3A_320, %swap3A_321] {strides = array<i32>} : memref<256x128xf32, #tpu.memory_space<vmem>>, vector<16xf32>,
        tpu.vector_store %arg8[%swap3A_320, %swap3A_321], %mul3A_318 {strides = array<i32>} : memref<256x128xf32, #tpu.memory_space<vmem>>, vector<16xf32>,
        %add3A_323 = arith.addi %mul3A_191, %scan3A_277 : i32
        %get3A_324 = arith.index_cast %add3A_323 : i32 to index
        %get3A_325 = arith.constant 80 : index
        %get3A_326 = tpu.vector_load %arg8[%get3A_324, %get3A_325] {strides = array<i32>} : memref<256x128xf32, #tpu.memory_space<vmem>>, vector<16xf32>,
        %mul3A_327 = arith.mulf %get3A_326, %bitcast3A : vector<16xf32>
        %add3A_328 = arith.addi %mul3A_191, %scan3A_277 : i32
        %swap3A_329 = arith.index_cast %add3A_328 : i32 to index
        %swap3A_330 = arith.constant 80 : index
        %swap3A_331 = tpu.vector_load %arg8[%swap3A_329, %swap3A_330] {strides = array<i32>} : memref<256x128xf32, #tpu.memory_space<vmem>>, vector<16xf32>,
        tpu.vector_store %arg8[%swap3A_329, %swap3A_330], %mul3A_327 {strides = array<i32>} : memref<256x128xf32, #tpu.memory_space<vmem>>, vector<16xf32>,
        %add3A_332 = arith.addi %mul3A_191, %scan3A_277 : i32
        %get3A_333 = arith.index_cast %add3A_332 : i32 to index
        %get3A_334 = arith.constant 96 : index
        %get3A_335 = tpu.vector_load %arg8[%get3A_333, %get3A_334] {strides = array<i32>} : memref<256x128xf32, #tpu.memory_space<vmem>>, vector<16xf32>,
        %mul3A_336 = arith.mulf %get3A_335, %bitcast3A : vector<16xf32>
        %add3A_337 = arith.addi %mul3A_191, %scan3A_277 : i32
        %swap3A_338 = arith.index_cast %add3A_337 : i32 to index
        %swap3A_339 = arith.constant 96 : index
        %swap3A_340 = tpu.vector_load %arg8[%swap3A_338, %swap3A_339] {strides = array<i32>} : memref<256x128xf32, #tpu.memory_space<vmem>>, vector<16xf32>,
        tpu.vector_store %arg8[%swap3A_338, %swap3A_339], %mul3A_336 {strides = array<i32>} : memref<256x128xf32, #tpu.memory_space<vmem>>, vector<16xf32>,
        %add3A_341 = arith.addi %mul3A_191, %scan3A_277 : i32
        %get3A_342 = arith.index_cast %add3A_341 : i32 to index
        %get3A_343 = arith.constant 112 : index
        %get3A_344 = tpu.vector_load %arg8[%get3A_342, %get3A_343] {strides = array<i32>} : memref<256x128xf32, #tpu.memory_space<vmem>>, vector<16xf32>,
        %mul3A_345 = arith.mulf %get3A_344, %bitcast3A : vector<16xf32>
        %add3A_346 = arith.addi %mul3A_191, %scan3A_277 : i32
        %swap3A_347 = arith.index_cast %add3A_346 : i32 to index
        %swap3A_348 = arith.constant 112 : index
        %swap3A_349 = tpu.vector_load %arg8[%swap3A_347, %swap3A_348] {strides = array<i32>} : memref<256x128xf32, #tpu.memory_space<vmem>>, vector<16xf32>,
        tpu.vector_store %arg8[%swap3A_347, %swap3A_348], %mul3A_345 {strides = array<i32>} : memref<256x128xf32, #tpu.memory_space<vmem>>, vector<16xf32>,
      }
      %scan3A_265 = arith.constant 128 : i32
      %dma_start3A_266 = arith.constant 1 : i32
      %dma_start3A_267 = arith.constant 0 : i32
      %dma_start3A_268 = tpu.memref_slice %arg8[%mul3A_191, %dma_start3A_267] : memref<256x128xf32, #tpu.memory_space<vmem>> -> memref<128x128xf32, #tpu.memory_space<vmem>>
      %dma_start3A_269 = arith.constant 0 : i32
      %dma_start3A_270 = tpu.memref_slice %arg7[%mul3A_149, %dma_start3A_269] : memref<9x128xi32, #tpu.memory_space<vmem>> -> memref<3x128xi32, #tpu.memory_space<vmem>>
      %dma_start3A_271 = arith.constant 0 : i32
      %dma_start3A_272 = tpu.memref_slice %dma_start3A_270[%dma_start3A_266, %dma_start3A_271] : memref<3x128xi32, #tpu.memory_space<vmem>> -> memref<1x128xi32, #tpu.memory_space<vmem>>
      %dma_start3A_273 = tpu.memref_squeeze %dma_start3A_272 : memref<1x128xi32, #tpu.memory_space<vmem>> -> memref<128xi32, #tpu.memory_space<vmem>>
      %dma_start3A_274 = arith.constant 0 : i32
      %dma_start3A_275 = arith.constant 0 : i32
      %dma_start3A_276 = tpu.memref_slice %arg11[%dma_start3A_274, %dma_start3A_275] : memref<10240x128xf32, #tpu.memory_space<vmem_shared>> -> memref<10240x128xf32, #tpu.memory_space<vmem_shared>>
      tpu.enqueue_indirect_dma source(%dma_start3A_268 : memref<128x128xf32, #tpu.memory_space<vmem>>) target(%dma_start3A_276 : memref<10240x128xf32, #tpu.memory_space<vmem_shared>>) offsets(%dma_start3A_273 : memref<128xi32, #tpu.memory_space<vmem>>) semaphore(%arg13 : memref<!tpu.dma_semaphore, #tpu.memory_space<semaphore_mem>>) {add = true}
    }
    %scan3A_59 = arith.constant 79 : i32
    %dma_wait3A = arith.constant 0 : i32
    %dma_wait3A_60 = arith.constant 0 : i32
    %dma_wait3A_61 = arith.constant 0 : i32
    %dma_wait3A_62 = tpu.memref_slice %arg7[%dma_wait3A_60, %dma_wait3A_61] : memref<9x128xi32, #tpu.memory_space<vmem>> -> memref<3x128xi32, #tpu.memory_space<vmem>>
    %dma_wait3A_63 = arith.constant 0 : i32
    %dma_wait3A_64 = arith.constant 0 : i32
    %dma_wait3A_65 = tpu.memref_slice %arg3[%arg0, %dma_wait3A, %dma_wait3A_63, %dma_wait3A_64] : memref<2x1264x3x128xi32, #tpu.memory_space<hbm>> -> memref<1x1x3x128xi32, #tpu.memory_space<hbm>>
    %dma_wait3A_66 = tpu.memref_squeeze %dma_wait3A_65 : memref<1x1x3x128xi32, #tpu.memory_space<hbm>> -> memref<3x128xi32, #tpu.memory_space<hbm>>
    %dma_wait3A_67 = arith.constant 0 : i32
    %dma_wait3A_68 = arith.constant 0 : i32
    %dma_wait3A_69 = tpu.memref_slice %arg7[%dma_wait3A_67, %dma_wait3A_68] : memref<9x128xi32, #tpu.memory_space<vmem>> -> memref<3x128xi32, #tpu.memory_space<vmem>>
    %dma_wait3A_70 = arith.constant 0 : i32
    %dma_wait3A_71 = arith.constant 0 : i32
    %dma_wait3A_72 = tpu.memref_slice %arg3[%arg0, %dma_wait3A, %dma_wait3A_70, %dma_wait3A_71] : memref<2x1264x3x128xi32, #tpu.memory_space<hbm>> -> memref<1x1x3x128xi32, #tpu.memory_space<hbm>>
    %dma_wait3A_73 = tpu.memref_squeeze %dma_wait3A_72 : memref<1x1x3x128xi32, #tpu.memory_space<hbm>> -> memref<3x128xi32, #tpu.memory_space<hbm>>
    tpu.wait_dma2 semaphore(%arg14 : memref<!tpu.dma_semaphore, #tpu.memory_space<semaphore_mem>>) src(%dma_wait3A_73 : memref<3x128xi32, #tpu.memory_space<hbm>>) dst(%dma_wait3A_69 : memref<3x128xi32, #tpu.memory_space<vmem>>)
    %dma_wait3A_74 = arith.constant 0 : i32
    %dma_wait3A_75 = arith.constant 0 : i32
    %dma_wait3A_76 = tpu.memref_slice %arg8[%dma_wait3A_74, %dma_wait3A_75] : memref<256x128xf32, #tpu.memory_space<vmem>> -> memref<128x128xf32, #tpu.memory_space<vmem>>
    %dma_wait3A_77 = arith.constant 0 : i32
    %dma_wait3A_78 = arith.constant 0 : i32
    %dma_wait3A_79 = tpu.memref_slice %arg2[%dma_wait3A_77, %dma_wait3A_78] : memref<20000x128xf32, #tpu.memory_space<hbm>> -> memref<128x128xf32, #tpu.memory_space<hbm>>
    %dma_wait3A_80 = arith.constant 0 : i32
    %dma_wait3A_81 = arith.constant 0 : i32
    %dma_wait3A_82 = tpu.memref_slice %arg8[%dma_wait3A_80, %dma_wait3A_81] : memref<256x128xf32, #tpu.memory_space<vmem>> -> memref<128x128xf32, #tpu.memory_space<vmem>>
    %dma_wait3A_83 = arith.constant 0 : i32
    %dma_wait3A_84 = arith.constant 0 : i32
    %dma_wait3A_85 = tpu.memref_slice %arg2[%dma_wait3A_83, %dma_wait3A_84] : memref<20000x128xf32, #tpu.memory_space<hbm>> -> memref<128x128xf32, #tpu.memory_space<hbm>>
    tpu.wait_dma2 semaphore(%arg12 : memref<!tpu.dma_semaphore, #tpu.memory_space<semaphore_mem>>) src(%dma_wait3A_85 : memref<128x128xf32, #tpu.memory_space<hbm>>) dst(%dma_wait3A_82 : memref<128x128xf32, #tpu.memory_space<vmem>>)
    %dma_wait3A_86 = arith.constant 0 : i32
    %dma_wait3A_87 = arith.constant 0 : i32
    %dma_wait3A_88 = tpu.memref_slice %arg8[%dma_wait3A_86, %dma_wait3A_87] : memref<256x128xf32, #tpu.memory_space<vmem>> -> memref<128x128xf32, #tpu.memory_space<vmem>>
    %dma_wait3A_89 = arith.constant 0 : i32
    %dma_wait3A_90 = arith.constant 0 : i32
    %dma_wait3A_91 = tpu.memref_slice %arg2[%dma_wait3A_89, %dma_wait3A_90] : memref<20000x128xf32, #tpu.memory_space<hbm>> -> memref<128x128xf32, #tpu.memory_space<hbm>>
    %dma_wait3A_92 = arith.constant 0 : i32
    %dma_wait3A_93 = arith.constant 0 : i32
    %dma_wait3A_94 = tpu.memref_slice %arg8[%dma_wait3A_92, %dma_wait3A_93] : memref<256x128xf32, #tpu.memory_space<vmem>> -> memref<128x128xf32, #tpu.memory_space<vmem>>
    %dma_wait3A_95 = arith.constant 0 : i32
    %dma_wait3A_96 = arith.constant 0 : i32
    %dma_wait3A_97 = tpu.memref_slice %arg2[%dma_wait3A_95, %dma_wait3A_96] : memref<20000x128xf32, #tpu.memory_space<hbm>> -> memref<128x128xf32, #tpu.memory_space<hbm>>
    tpu.wait_dma2 semaphore(%arg13 : memref<!tpu.dma_semaphore, #tpu.memory_space<semaphore_mem>>) src(%dma_wait3A_97 : memref<128x128xf32, #tpu.memory_space<hbm>>) dst(%dma_wait3A_94 : memref<128x128xf32, #tpu.memory_space<vmem>>)
    %barrier3A_98 = arith.constant 0 : index
    tpu.barrier barrier_id(%barrier3A_98)
    "tpu.region"() ({
      %run_scoped3A = tpu.sem_alloc : memref<!tpu.dma_semaphore, #tpu.memory_space<semaphore_mem>>
      %dma_start3A_122 = arith.constant 0 : i32
      %dma_start3A_123 = tpu.memref_slice %arg4[%arg0, %dma_start3A_122] : memref<2x128xf32, #tpu.memory_space<hbm>> -> memref<1x128xf32, #tpu.memory_space<hbm>>
      %dma_start3A_124 = tpu.memref_squeeze %dma_start3A_123 : memref<1x128xf32, #tpu.memory_space<hbm>> -> memref<128xf32, #tpu.memory_space<hbm>>
      %dma_start3A_125 = arith.constant 0 : i32
      %dma_start3A_126 = tpu.memref_slice %arg4[%arg0, %dma_start3A_125] : memref<2x128xf32, #tpu.memory_space<hbm>> -> memref<1x128xf32, #tpu.memory_space<hbm>>
      %dma_start3A_127 = tpu.memref_squeeze %dma_start3A_126 : memref<1x128xf32, #tpu.memory_space<hbm>> -> memref<128xf32, #tpu.memory_space<hbm>>
      tpu.enqueue_dma source(%dma_start3A_127 : memref<128xf32, #tpu.memory_space<hbm>>) target(%arg9 : memref<128xf32, #tpu.memory_space<vmem>>) target_semaphore(%run_scoped3A : memref<!tpu.dma_semaphore, #tpu.memory_space<semaphore_mem>>)
      %dma_wait3A_128 = arith.constant 0 : i32
      %dma_wait3A_129 = tpu.memref_slice %arg4[%arg0, %dma_wait3A_128] : memref<2x128xf32, #tpu.memory_space<hbm>> -> memref<1x128xf32, #tpu.memory_space<hbm>>
      %dma_wait3A_130 = tpu.memref_squeeze %dma_wait3A_129 : memref<1x128xf32, #tpu.memory_space<hbm>> -> memref<128xf32, #tpu.memory_space<hbm>>
      %dma_wait3A_131 = arith.constant 0 : i32
      %dma_wait3A_132 = tpu.memref_slice %arg4[%arg0, %dma_wait3A_131] : memref<2x128xf32, #tpu.memory_space<hbm>> -> memref<1x128xf32, #tpu.memory_space<hbm>>
      %dma_wait3A_133 = tpu.memref_squeeze %dma_wait3A_132 : memref<1x128xf32, #tpu.memory_space<hbm>> -> memref<128xf32, #tpu.memory_space<hbm>>
      tpu.wait_dma2 semaphore(%run_scoped3A : memref<!tpu.dma_semaphore, #tpu.memory_space<semaphore_mem>>) src(%dma_wait3A_133 : memref<128xf32, #tpu.memory_space<hbm>>) dst(%arg9 : memref<128xf32, #tpu.memory_space<vmem>>)
      tpu.yield
    }) : () -> ()
    "tpu.region"() ({
      %run_scoped3A = tpu.sem_alloc : memref<!tpu.dma_semaphore, #tpu.memory_space<semaphore_mem>>
      tpu.enqueue_dma source(%arg5 : memref<16xf32, #tpu.memory_space<hbm>>) target(%arg10 : memref<16xf32, #tpu.memory_space<vmem>>) target_semaphore(%run_scoped3A : memref<!tpu.dma_semaphore, #tpu.memory_space<semaphore_mem>>)
      tpu.wait_dma2 semaphore(%run_scoped3A : memref<!tpu.dma_semaphore, #tpu.memory_space<semaphore_mem>>) src(%arg5 : memref<16xf32, #tpu.memory_space<hbm>>) dst(%arg10 : memref<16xf32, #tpu.memory_space<vmem>>)
      tpu.yield
    }) : () -> ()
    %get3A = arith.constant 0 : index
    %get3A_99 = tpu.vector_load %arg10[%get3A] {strides = array<i32>} : memref<16xf32, #tpu.memory_space<vmem>>, vector<16xf32>,
    %get3A_100 = arith.constant 0 : index
    %get3A_101 = tpu.vector_load %arg9[%get3A_100] {strides = array<i32>} : memref<128xf32, #tpu.memory_space<vmem>>, vector<16xf32>,
    %get3A_102 = arith.constant 16 : index
    %get3A_103 = tpu.vector_load %arg9[%get3A_102] {strides = array<i32>} : memref<128xf32, #tpu.memory_space<vmem>>, vector<16xf32>,
    %get3A_104 = arith.constant 32 : index
    %get3A_105 = tpu.vector_load %arg9[%get3A_104] {strides = array<i32>} : memref<128xf32, #tpu.memory_space<vmem>>, vector<16xf32>,
    %get3A_106 = arith.constant 48 : index
    %get3A_107 = tpu.vector_load %arg9[%get3A_106] {strides = array<i32>} : memref<128xf32, #tpu.memory_space<vmem>>, vector<16xf32>,
    %get3A_108 = arith.constant 64 : index
    %get3A_109 = tpu.vector_load %arg9[%get3A_108] {strides = array<i32>} : memref<128xf32, #tpu.memory_space<vmem>>, vector<16xf32>,
    %get3A_110 = arith.constant 80 : index
    %get3A_111 = tpu.vector_load %arg9[%get3A_110] {strides = array<i32>} : memref<128xf32, #tpu.memory_space<vmem>>, vector<16xf32>,
    %get3A_112 = arith.constant 96 : index
    %get3A_113 = tpu.vector_load %arg9[%get3A_112] {strides = array<i32>} : memref<128xf32, #tpu.memory_space<vmem>>, vector<16xf32>,
    %get3A_114 = arith.constant 112 : index
    %get3A_115 = tpu.vector_load %arg9[%get3A_114] {strides = array<i32>} : memref<128xf32, #tpu.memory_space<vmem>>, vector<16xf32>,
    %scan3A_116 = arith.constant 0 : i32
    %scan3A_117 = arith.constant 0 : i32
    %scan3A_118 = arith.constant 5 : i32
    %scan3A_119 = arith.addi %scan3A_117, %scan3A_118 : i32
    %scan3A_120 = arith.constant 1 : i32
    scf.for %scan3A_122 = %scan3A_117 to %scan3A_119 step %scan3A_120  : i32 {
      %mul3A_123 = arith.constant 128 : i32
      %mul3A_124 = arith.muli %scan3A_122, %mul3A_123 : i32
      %add3A_125 = arith.addi %mul3A_6, %mul3A_124 : i32
      "tpu.region"() ({
        %run_scoped3A = tpu.sem_alloc : memref<!tpu.dma_semaphore, #tpu.memory_space<semaphore_mem>>
        %dma_start3A_134 = arith.constant 0 : i32
        %dma_start3A_135 = arith.constant 0 : i32
        %dma_start3A_136 = tpu.memref_slice %arg8[%dma_start3A_134, %dma_start3A_135] : memref<256x128xf32, #tpu.memory_space<vmem>> -> memref<128x128xf32, #tpu.memory_space<vmem>>
        %dma_start3A_137 = arith.constant 0 : i32
        %dma_start3A_138 = tpu.memref_slice %arg11[%add3A_125, %dma_start3A_137] : memref<10240x128xf32, #tpu.memory_space<vmem_shared>> -> memref<128x128xf32, #tpu.memory_space<vmem_shared>>
        %dma_start3A_139 = arith.constant 0 : i32
        %dma_start3A_140 = arith.constant 0 : i32
        %dma_start3A_141 = tpu.memref_slice %arg8[%dma_start3A_139, %dma_start3A_140] : memref<256x128xf32, #tpu.memory_space<vmem>> -> memref<128x128xf32, #tpu.memory_space<vmem>>
        %dma_start3A_142 = arith.constant 0 : i32
        %dma_start3A_143 = tpu.memref_slice %arg11[%add3A_125, %dma_start3A_142] : memref<10240x128xf32, #tpu.memory_space<vmem_shared>> -> memref<128x128xf32, #tpu.memory_space<vmem_shared>>
        tpu.enqueue_dma source(%dma_start3A_143 : memref<128x128xf32, #tpu.memory_space<vmem_shared>>) target(%dma_start3A_141 : memref<128x128xf32, #tpu.memory_space<vmem>>) target_semaphore(%run_scoped3A : memref<!tpu.dma_semaphore, #tpu.memory_space<semaphore_mem>>)
        %dma_wait3A_144 = arith.constant 0 : i32
        %dma_wait3A_145 = arith.constant 0 : i32
        %dma_wait3A_146 = tpu.memref_slice %arg8[%dma_wait3A_144, %dma_wait3A_145] : memref<256x128xf32, #tpu.memory_space<vmem>> -> memref<128x128xf32, #tpu.memory_space<vmem>>
        %dma_wait3A_147 = arith.constant 0 : i32
        %dma_wait3A_148 = tpu.memref_slice %arg11[%add3A_125, %dma_wait3A_147] : memref<10240x128xf32, #tpu.memory_space<vmem_shared>> -> memref<128x128xf32, #tpu.memory_space<vmem_shared>>
        %dma_wait3A_149 = arith.constant 0 : i32
        %dma_wait3A_150 = arith.constant 0 : i32
        %dma_wait3A_151 = tpu.memref_slice %arg8[%dma_wait3A_149, %dma_wait3A_150] : memref<256x128xf32, #tpu.memory_space<vmem>> -> memref<128x128xf32, #tpu.memory_space<vmem>>
        %dma_wait3A_152 = arith.constant 0 : i32
        %dma_wait3A_153 = tpu.memref_slice %arg11[%add3A_125, %dma_wait3A_152] : memref<10240x128xf32, #tpu.memory_space<vmem_shared>> -> memref<128x128xf32, #tpu.memory_space<vmem_shared>>
        tpu.wait_dma2 semaphore(%run_scoped3A : memref<!tpu.dma_semaphore, #tpu.memory_space<semaphore_mem>>) src(%dma_wait3A_153 : memref<128x128xf32, #tpu.memory_space<vmem_shared>>) dst(%dma_wait3A_151 : memref<128x128xf32, #tpu.memory_space<vmem>>)
        tpu.yield
      }) : () -> ()
      %scan3A_126 = arith.constant 0 : i32
      %scan3A_127 = arith.constant 0 : i32
      %scan3A_128 = arith.constant 128 : i32
      %scan3A_129 = arith.addi %scan3A_127, %scan3A_128 : i32
      %scan3A_130 = arith.constant 1 : i32
      scf.for %scan3A_134 = %scan3A_127 to %scan3A_129 step %scan3A_130  : i32 {
        %get3A_135 = arith.index_cast %scan3A_134 : i32 to index
        %get3A_136 = arith.constant 0 : index
        %get3A_137 = tpu.vector_load %arg8[%get3A_135, %get3A_136] {strides = array<i32>} : memref<256x128xf32, #tpu.memory_space<vmem>>, vector<16xf32>,
        %add3A_138 = arith.addf %get3A_137, %get3A_101 : vector<16xf32>
        %gt3A = arith.constant 0.000000e+00 : f32
        %gt3A_139 = vector.broadcast %gt3A : f32 to vector<16xf32>
        %gt3A_140 = arith.cmpf ogt, %add3A_138, %gt3A_139 : vector<16xf32>
        %mul3A_141 = arith.mulf %add3A_138, %get3A_99 : vector<16xf32>
        %select_n3A = arith.select %gt3A_140, %add3A_138, %mul3A_141 : vector<16xi1>, vector<16xf32>
        %swap3A = arith.index_cast %scan3A_134 : i32 to index
        %swap3A_142 = arith.constant 0 : index
        %swap3A_143 = tpu.vector_load %arg8[%swap3A, %swap3A_142] {strides = array<i32>} : memref<256x128xf32, #tpu.memory_space<vmem>>, vector<16xf32>,
        tpu.vector_store %arg8[%swap3A, %swap3A_142], %select_n3A {strides = array<i32>} : memref<256x128xf32, #tpu.memory_space<vmem>>, vector<16xf32>,
        %get3A_144 = arith.index_cast %scan3A_134 : i32 to index
        %get3A_145 = arith.constant 16 : index
        %get3A_146 = tpu.vector_load %arg8[%get3A_144, %get3A_145] {strides = array<i32>} : memref<256x128xf32, #tpu.memory_space<vmem>>, vector<16xf32>,
        %add3A_147 = arith.addf %get3A_146, %get3A_103 : vector<16xf32>
        %gt3A_148 = arith.constant 0.000000e+00 : f32
        %gt3A_149 = vector.broadcast %gt3A_148 : f32 to vector<16xf32>
        %gt3A_150 = arith.cmpf ogt, %add3A_147, %gt3A_149 : vector<16xf32>
        %mul3A_151 = arith.mulf %add3A_147, %get3A_99 : vector<16xf32>
        %select_n3A_152 = arith.select %gt3A_150, %add3A_147, %mul3A_151 : vector<16xi1>, vector<16xf32>
        %swap3A_153 = arith.index_cast %scan3A_134 : i32 to index
        %swap3A_154 = arith.constant 16 : index
        %swap3A_155 = tpu.vector_load %arg8[%swap3A_153, %swap3A_154] {strides = array<i32>} : memref<256x128xf32, #tpu.memory_space<vmem>>, vector<16xf32>,
        tpu.vector_store %arg8[%swap3A_153, %swap3A_154], %select_n3A_152 {strides = array<i32>} : memref<256x128xf32, #tpu.memory_space<vmem>>, vector<16xf32>,
        %get3A_156 = arith.index_cast %scan3A_134 : i32 to index
        %get3A_157 = arith.constant 32 : index
        %get3A_158 = tpu.vector_load %arg8[%get3A_156, %get3A_157] {strides = array<i32>} : memref<256x128xf32, #tpu.memory_space<vmem>>, vector<16xf32>,
        %add3A_159 = arith.addf %get3A_158, %get3A_105 : vector<16xf32>
        %gt3A_160 = arith.constant 0.000000e+00 : f32
        %gt3A_161 = vector.broadcast %gt3A_160 : f32 to vector<16xf32>
        %gt3A_162 = arith.cmpf ogt, %add3A_159, %gt3A_161 : vector<16xf32>
        %mul3A_163 = arith.mulf %add3A_159, %get3A_99 : vector<16xf32>
        %select_n3A_164 = arith.select %gt3A_162, %add3A_159, %mul3A_163 : vector<16xi1>, vector<16xf32>
        %swap3A_165 = arith.index_cast %scan3A_134 : i32 to index
        %swap3A_166 = arith.constant 32 : index
        %swap3A_167 = tpu.vector_load %arg8[%swap3A_165, %swap3A_166] {strides = array<i32>} : memref<256x128xf32, #tpu.memory_space<vmem>>, vector<16xf32>,
        tpu.vector_store %arg8[%swap3A_165, %swap3A_166], %select_n3A_164 {strides = array<i32>} : memref<256x128xf32, #tpu.memory_space<vmem>>, vector<16xf32>,
        %get3A_168 = arith.index_cast %scan3A_134 : i32 to index
        %get3A_169 = arith.constant 48 : index
        %get3A_170 = tpu.vector_load %arg8[%get3A_168, %get3A_169] {strides = array<i32>} : memref<256x128xf32, #tpu.memory_space<vmem>>, vector<16xf32>,
        %add3A_171 = arith.addf %get3A_170, %get3A_107 : vector<16xf32>
        %gt3A_172 = arith.constant 0.000000e+00 : f32
        %gt3A_173 = vector.broadcast %gt3A_172 : f32 to vector<16xf32>
        %gt3A_174 = arith.cmpf ogt, %add3A_171, %gt3A_173 : vector<16xf32>
        %mul3A_175 = arith.mulf %add3A_171, %get3A_99 : vector<16xf32>
        %select_n3A_176 = arith.select %gt3A_174, %add3A_171, %mul3A_175 : vector<16xi1>, vector<16xf32>
        %swap3A_177 = arith.index_cast %scan3A_134 : i32 to index
        %swap3A_178 = arith.constant 48 : index
        %swap3A_179 = tpu.vector_load %arg8[%swap3A_177, %swap3A_178] {strides = array<i32>} : memref<256x128xf32, #tpu.memory_space<vmem>>, vector<16xf32>,
        tpu.vector_store %arg8[%swap3A_177, %swap3A_178], %select_n3A_176 {strides = array<i32>} : memref<256x128xf32, #tpu.memory_space<vmem>>, vector<16xf32>,
        %get3A_180 = arith.index_cast %scan3A_134 : i32 to index
        %get3A_181 = arith.constant 64 : index
        %get3A_182 = tpu.vector_load %arg8[%get3A_180, %get3A_181] {strides = array<i32>} : memref<256x128xf32, #tpu.memory_space<vmem>>, vector<16xf32>,
        %add3A_183 = arith.addf %get3A_182, %get3A_109 : vector<16xf32>
        %gt3A_184 = arith.constant 0.000000e+00 : f32
        %gt3A_185 = vector.broadcast %gt3A_184 : f32 to vector<16xf32>
        %gt3A_186 = arith.cmpf ogt, %add3A_183, %gt3A_185 : vector<16xf32>
        %mul3A_187 = arith.mulf %add3A_183, %get3A_99 : vector<16xf32>
        %select_n3A_188 = arith.select %gt3A_186, %add3A_183, %mul3A_187 : vector<16xi1>, vector<16xf32>
        %swap3A_189 = arith.index_cast %scan3A_134 : i32 to index
        %swap3A_190 = arith.constant 64 : index
        %swap3A_191 = tpu.vector_load %arg8[%swap3A_189, %swap3A_190] {strides = array<i32>} : memref<256x128xf32, #tpu.memory_space<vmem>>, vector<16xf32>,
        tpu.vector_store %arg8[%swap3A_189, %swap3A_190], %select_n3A_188 {strides = array<i32>} : memref<256x128xf32, #tpu.memory_space<vmem>>, vector<16xf32>,
        %get3A_192 = arith.index_cast %scan3A_134 : i32 to index
        %get3A_193 = arith.constant 80 : index
        %get3A_194 = tpu.vector_load %arg8[%get3A_192, %get3A_193] {strides = array<i32>} : memref<256x128xf32, #tpu.memory_space<vmem>>, vector<16xf32>,
        %add3A_195 = arith.addf %get3A_194, %get3A_111 : vector<16xf32>
        %gt3A_196 = arith.constant 0.000000e+00 : f32
        %gt3A_197 = vector.broadcast %gt3A_196 : f32 to vector<16xf32>
        %gt3A_198 = arith.cmpf ogt, %add3A_195, %gt3A_197 : vector<16xf32>
        %mul3A_199 = arith.mulf %add3A_195, %get3A_99 : vector<16xf32>
        %select_n3A_200 = arith.select %gt3A_198, %add3A_195, %mul3A_199 : vector<16xi1>, vector<16xf32>
        %swap3A_201 = arith.index_cast %scan3A_134 : i32 to index
        %swap3A_202 = arith.constant 80 : index
        %swap3A_203 = tpu.vector_load %arg8[%swap3A_201, %swap3A_202] {strides = array<i32>} : memref<256x128xf32, #tpu.memory_space<vmem>>, vector<16xf32>,
        tpu.vector_store %arg8[%swap3A_201, %swap3A_202], %select_n3A_200 {strides = array<i32>} : memref<256x128xf32, #tpu.memory_space<vmem>>, vector<16xf32>,
        %get3A_204 = arith.index_cast %scan3A_134 : i32 to index
        %get3A_205 = arith.constant 96 : index
        %get3A_206 = tpu.vector_load %arg8[%get3A_204, %get3A_205] {strides = array<i32>} : memref<256x128xf32, #tpu.memory_space<vmem>>, vector<16xf32>,
        %add3A_207 = arith.addf %get3A_206, %get3A_113 : vector<16xf32>
        %gt3A_208 = arith.constant 0.000000e+00 : f32
        %gt3A_209 = vector.broadcast %gt3A_208 : f32 to vector<16xf32>
        %gt3A_210 = arith.cmpf ogt, %add3A_207, %gt3A_209 : vector<16xf32>
        %mul3A_211 = arith.mulf %add3A_207, %get3A_99 : vector<16xf32>
        %select_n3A_212 = arith.select %gt3A_210, %add3A_207, %mul3A_211 : vector<16xi1>, vector<16xf32>
        %swap3A_213 = arith.index_cast %scan3A_134 : i32 to index
        %swap3A_214 = arith.constant 96 : index
        %swap3A_215 = tpu.vector_load %arg8[%swap3A_213, %swap3A_214] {strides = array<i32>} : memref<256x128xf32, #tpu.memory_space<vmem>>, vector<16xf32>,
        tpu.vector_store %arg8[%swap3A_213, %swap3A_214], %select_n3A_212 {strides = array<i32>} : memref<256x128xf32, #tpu.memory_space<vmem>>, vector<16xf32>,
        %get3A_216 = arith.index_cast %scan3A_134 : i32 to index
        %get3A_217 = arith.constant 112 : index
        %get3A_218 = tpu.vector_load %arg8[%get3A_216, %get3A_217] {strides = array<i32>} : memref<256x128xf32, #tpu.memory_space<vmem>>, vector<16xf32>,
        %add3A_219 = arith.addf %get3A_218, %get3A_115 : vector<16xf32>
        %gt3A_220 = arith.constant 0.000000e+00 : f32
        %gt3A_221 = vector.broadcast %gt3A_220 : f32 to vector<16xf32>
        %gt3A_222 = arith.cmpf ogt, %add3A_219, %gt3A_221 : vector<16xf32>
        %mul3A_223 = arith.mulf %add3A_219, %get3A_99 : vector<16xf32>
        %select_n3A_224 = arith.select %gt3A_222, %add3A_219, %mul3A_223 : vector<16xi1>, vector<16xf32>
        %swap3A_225 = arith.index_cast %scan3A_134 : i32 to index
        %swap3A_226 = arith.constant 112 : index
        %swap3A_227 = tpu.vector_load %arg8[%swap3A_225, %swap3A_226] {strides = array<i32>} : memref<256x128xf32, #tpu.memory_space<vmem>>, vector<16xf32>,
        tpu.vector_store %arg8[%swap3A_225, %swap3A_226], %select_n3A_224 {strides = array<i32>} : memref<256x128xf32, #tpu.memory_space<vmem>>, vector<16xf32>,
      }
      %scan3A_131 = arith.constant 128 : i32
      %mul3A_132 = arith.constant 128 : i32
      %mul3A_133 = arith.muli %arg0, %mul3A_132 : i32
      "tpu.region"() ({
        %run_scoped3A = tpu.sem_alloc : memref<!tpu.dma_semaphore, #tpu.memory_space<semaphore_mem>>
        %dma_start3A_134 = arith.constant 0 : i32
        %dma_start3A_135 = arith.constant 0 : i32
        %dma_start3A_136 = tpu.memref_slice %arg8[%dma_start3A_134, %dma_start3A_135] : memref<256x128xf32, #tpu.memory_space<vmem>> -> memref<128x128xf32, #tpu.memory_space<vmem>>
        %dma_start3A_137 = tpu.memref_slice %arg6[%add3A_125, %mul3A_133] : memref<10240x256xf32, #tpu.memory_space<hbm>> -> memref<128x128xf32, #tpu.memory_space<hbm>>
        %dma_start3A_138 = tpu.memref_slice %arg6[%add3A_125, %mul3A_133] : memref<10240x256xf32, #tpu.memory_space<hbm>> -> memref<128x128xf32, #tpu.memory_space<hbm>>
        %dma_start3A_139 = arith.constant 0 : i32
        %dma_start3A_140 = arith.constant 0 : i32
        %dma_start3A_141 = tpu.memref_slice %arg8[%dma_start3A_139, %dma_start3A_140] : memref<256x128xf32, #tpu.memory_space<vmem>> -> memref<128x128xf32, #tpu.memory_space<vmem>>
        tpu.enqueue_dma source(%dma_start3A_141 : memref<128x128xf32, #tpu.memory_space<vmem>>) target(%dma_start3A_138 : memref<128x128xf32, #tpu.memory_space<hbm>>) target_semaphore(%run_scoped3A : memref<!tpu.dma_semaphore, #tpu.memory_space<semaphore_mem>>)
        %dma_wait3A_142 = arith.constant 0 : i32
        %dma_wait3A_143 = arith.constant 0 : i32
        %dma_wait3A_144 = tpu.memref_slice %arg8[%dma_wait3A_142, %dma_wait3A_143] : memref<256x128xf32, #tpu.memory_space<vmem>> -> memref<128x128xf32, #tpu.memory_space<vmem>>
        %dma_wait3A_145 = tpu.memref_slice %arg6[%add3A_125, %mul3A_133] : memref<10240x256xf32, #tpu.memory_space<hbm>> -> memref<128x128xf32, #tpu.memory_space<hbm>>
        %dma_wait3A_146 = tpu.memref_slice %arg6[%add3A_125, %mul3A_133] : memref<10240x256xf32, #tpu.memory_space<hbm>> -> memref<128x128xf32, #tpu.memory_space<hbm>>
        %dma_wait3A_147 = arith.constant 0 : i32
        %dma_wait3A_148 = arith.constant 0 : i32
        %dma_wait3A_149 = tpu.memref_slice %arg8[%dma_wait3A_147, %dma_wait3A_148] : memref<256x128xf32, #tpu.memory_space<vmem>> -> memref<128x128xf32, #tpu.memory_space<vmem>>
        tpu.wait_dma2 semaphore(%run_scoped3A : memref<!tpu.dma_semaphore, #tpu.memory_space<semaphore_mem>>) src(%dma_wait3A_149 : memref<128x128xf32, #tpu.memory_space<vmem>>) dst(%dma_wait3A_146 : memref<128x128xf32, #tpu.memory_space<hbm>>)
        tpu.yield
      }) : () -> ()
    }
    %scan3A_121 = arith.constant 5 : i32
    return
  }
}

module attributes {stable_mosaic.version = 14 : i64} {
  func.func @_mm_body(%arg0: i32, %arg1: i32, %arg2: memref<1000x256xf32, #tpu.memory_space<vmem>>, %arg3: memref<1x256x128xf32, #tpu.memory_space<vmem>>, %arg4: memref<1000x128xf32, #tpu.memory_space<vmem>>) attributes {dimension_semantics = [#tpu.dimension_semantics<arbitrary>, #tpu.dimension_semantics<arbitrary>], iteration_bounds = array<i64: 2, 10>, scalar_prefetch = 0 : i64, scratch_operands = 0 : i64, tpu.core_type = #tpu.core_type<tc>, window_params = [{transform_indices = @transform_0, window_bounds = array<i64: 1000, 256>}, {transform_indices = @transform_1, window_bounds = array<i64: 1, 256, 128>}, {transform_indices = @transform_2, window_bounds = array<i64: 1000, 128>}]} {
    %get3A = arith.constant 0 : index
    %get3A_0 = arith.constant 0 : index
    %get3A_1 = vector.load %arg2[%get3A, %get3A_0] : memref<1000x256xf32, #tpu.memory_space<vmem>>, vector<1000x256xf32>
    %get3A_2 = arith.constant 0 : index
    %get3A_3 = arith.constant 0 : index
    %get3A_4 = arith.constant 0 : index
    %get3A_5 = vector.load %arg3[%get3A_2, %get3A_3, %get3A_4] : memref<1x256x128xf32, #tpu.memory_space<vmem>>, vector<1x256x128xf32>
    %get3A_6 = vector.shape_cast %get3A_5 : vector<1x256x128xf32> to vector<256x128xf32>
    %dot_general3A = arith.constant dense<0.000000e+00> : vector<1000x128xf32>
    %dot_general3A_7 = tpu.matmul %get3A_1, %get3A_6, %dot_general3A {dimension_numbers = #tpu.dot_dimension_numbers<[1], [0], [0], [1], [0, 0, 1, 1], [], []>, transpose_lhs_hint = false} : vector<1000x256xf32>, vector<256x128xf32>, vector<1000x128xf32> -> vector<1000x128xf32>
    %swap3A = arith.constant 0 : index
    %swap3A_8 = arith.constant 0 : index
    %swap3A_9 = vector.load %arg4[%swap3A, %swap3A_8] : memref<1000x128xf32, #tpu.memory_space<vmem>>, vector<1000x128xf32>
    tpu.vector_store %arg4[%swap3A, %swap3A_8], %dot_general3A_7 {strides = array<i32>} : memref<1000x128xf32, #tpu.memory_space<vmem>>, vector<1000x128xf32>,
    return
  }
  func.func @transform_0(%arg0: i32, %arg1: i32) -> (i32, i32) {
    %c0_i32 = arith.constant 0 : i32
    %c0_i32_0 = arith.constant 0 : i32
    return %arg1, %c0_i32 : i32, i32
  }
  func.func @transform_1(%arg0: i32, %arg1: i32) -> (i32, i32, i32) {
    %c0_i32 = arith.constant 0 : i32
    %c0_i32_0 = arith.constant 0 : i32
    %c0_i32_1 = arith.constant 0 : i32
    return %arg0, %c0_i32, %c0_i32_0 : i32, i32, i32
  }
  func.func @transform_2(%arg0: i32, %arg1: i32) -> (i32, i32) {
    %mul3A = arith.constant 10 : i32
    %mul3A_0 = arith.muli %arg0, %mul3A : i32
    %add3A = arith.addi %mul3A_0, %arg1 : i32
    %c0_i32 = arith.constant 0 : i32
    %c0_i32_1 = arith.constant 0 : i32
    return %add3A, %c0_i32 : i32, i32
  }
}

</mosaic_0001>

<sc_bundles>
// kernel: kernel.4.cloned.1.call-start
scs
__scs_entry_jumppad:
0x0: {  	(pc) =	sbr.rel $0x88, $3  }
0x1: {  	(tag) =	ssettag $0x0;
	lr =	simm.s32 $0x1  }
0x2: {  	[smem:$0x3F9B] =	sst lr;
	_ =	strace $0xD0000000  }
0x3: {  	_ = 	snop  }
0x4: {  	_ = 	snop  }
0x5: {  	_ = 	snop  }
0x6: {  	_ = 	snop  }
0x7: {  	_ = 	snop  }
__scs_overlays_trampoline_lowered:
0x8: {  	[smem:$0x3FAA] =	sst s0  }
0x9: {  	[smem:$0x3FAB] =	sst s1  }
0xa: {  	[smem:$0x3FAC] =	sst s2  }
0xb: {  	[smem:$0x3FAD] =	sst s3  }
0xc: {  	[smem:$0x3FAE] =	sst s4  }
0xd: {  	[smem:$0x3FAF] =	sst s5  }
0xe: {  	[smem:$0x3FB0] =	sst s6  }
0xf: {  	[smem:$0x3FB1] =	sst s7  }
0x10: {  	[smem:$0x3FB2] =	sst s8  }
0x11: {  	[smem:$0x3FB3] =	sst s9;
	s0 =	simm.s32 @!p0 $0x0  }
0x12: {  	s1 =	sld [smem:$0x3F99];
	s0 =	simm.s32 @p0 $0x1  }
0x13: {  	[smem:$0x3FB4] =	sst s0;
	s0 =	simm.s32 @!p1 $0x0  }
0x14: {  	s2 =	sld [smem:$0x3F98];
	s0 =	simm.s32 @p1 $0x1  }
0x15: {  	[smem:$0x3FB5] =	sst s0;
	s0 =	simm.s32 @!p2 $0x0  }
0x16: {  	s3 =	sld [smem:$0x3FDB];
	s0 =	simm.s32 @p2 $0x1  }
0x17: {  	s4 =	simm.s32 $0x1BF5;
	[smem:$0x3FB7] =	sst s0  }
0x18: {  	s0 =	sld [smem:$0x3F9A];
	_ =	swait.ge [sflag:s4], $0x0  }
0x19: {  	s7 =	sld [smem:$0x3F9B]  }
0x1a: {  	s8 =	sadd.s32 $0xFFFFE003, lr  }
0x1b: {  	s9 =	sadd.s32 $0xFFFFFEF7, lr;
	s5 =	simm.s32 $0xFFFFFFFF;
	p2 =	slt.u32 s8, $0xFFFFF086  }
0x1c: {  	p1 =	slt.u32 s9, $0xF7A;
	s5 =	simm.s32 @!p2 $0x0  }
0x1d: {  	s5 =	simm.s32 @p1 $0x1;
	p0 =	seq.s32 s7, s2  }
0x1e: {  	s7 =	smul.u32 @!p0 $0xF7A, s2;
	p2 =	seq.s32 @!p0 s5, $0x0  }
0x1f: {  	s9 =	smul.u32 $0xF7A, s1;
	s8 =	simm.s32 @!p0 $0x1BF5;
	p2 =	por !p2, p0  }
0x20: {  	[sflag:s8] =	ssyncset.s32 @!p0 $0xFFFFF086;
	s6 =	sadd.s32 @!p0 s3, s7;
	s7 =	simm.s32 @!p0 $0x108  }
0x21: {  	s3 =	sadd.s32 s3, s9;
	s6 =	sadd.s32 @!p0 $0x88, s6;
	s7 =	simm.s32 @p2 $0x1082  }
0x22: {  	[simem:s7], [sflag:s8] =	dma.local @!p0 [hbm:s6], $0xF7A  }
0x23: {  	s9 =	sor.u32 $0xD0000000, s2;
	s6 =	simm.s32 $0x108;
	_ =	swait.ge @!p0 [sflag:s8], $0x0  }
0x24: {  	s3 =	sadd.s32 $0x88, s3;
	s6 =	simm.s32 @!p1 $0x1082;
	[sflag:s4] =	ssyncset.s32 $0xFFFFF086  }
0x25: {  	[simem:s6], [sflag:s4] =	dma.local [hbm:s3], $0xF7A  }
0x26: {  	[smem:$0x3F9B] =	sst s1;
	(tag) =	ssettag s2;
	_ =	strace s9  }
0x27: {  	s1 =	sld [smem:$0x3FAB]  }
0x28: {  	s2 =	sld [smem:$0x3FAC]  }
0x29: {  	s4 =	sld [smem:$0x3FAE]  }
0x2a: {  	p0 =	seq.s32 s5, $0x0;
	s5 =	sld [smem:$0x3FAF]  }
0x2b: {  	s6 =	sld [smem:$0x3FB0]  }
0x2c: {  	s7 =	sld [smem:$0x3FB1]  }
0x2d: {  	s3 =	simm.s32 $0x108;
	s8 =	sld [smem:$0x3FB2]  }
0x2e: {  	s3 =	simm.s32 @!p0 $0x1082;
	s9 =	sld [smem:$0x3FB3]  }
0x2f: {  	lr =	sadd.s32 s0, s3;
	s0 =	sld [smem:$0x3FAA]  }
0x30: {  	s3 =	sld [smem:$0x3FAD]  }
0x31: {  	[smem:$0x3FB6] =	sst s10  }
0x32: {  	s10 =	sld [smem:$0x3FB4];
	_ =	sdelay $0x3  }
0x33: {  	p0 =	seq.s32 s10, $0x1;
	s10 =	sld [smem:$0x3FB6];
	_ =	sdelay $0x3  }
0x34: {  	[smem:$0x3FB6] =	sst s10  }
0x35: {  	s10 =	sld [smem:$0x3FB5];
	_ =	sdelay $0x3  }
0x36: {  	p1 =	seq.s32 s10, $0x1;
	s10 =	sld [smem:$0x3FB6];
	_ =	sdelay $0x3  }
0x37: {  	[smem:$0x3FB6] =	sst s10  }
0x38: {  	s10 =	sld [smem:$0x3FB7]  }
0x39: {  	_ = 	snop;
	(pc) =	sbr.ind lr, $3  }
0x3a: {  	_ = 	snop  }
0x3b: {  	_ = 	snop  }
0x3c: {  	p2 =	seq.s32 s10, $0x1;
	s10 =	sld [smem:$0x3FB6]  }
0x3d: {  	_ =	shalt  }
0x3e: {  	_ =	shalt  }
0x3f: {  	_ =	shalt  }
0x40: {  	_ =	shalt  }
0x41: {  	_ =	shalt  }
0x42: {  	_ =	shalt  }
0x43: {  	_ =	shalt  }
0x44: {  	_ =	shalt  }
0x45: {  	_ =	shalt  }
0x46: {  	_ =	shalt  }
0x47: {  	_ =	shalt  }
0x48: {  	_ =	shalt  }
0x49: {  	_ =	shalt  }
0x4a: {  	_ =	shalt  }
0x4b: {  	_ =	shalt  }
0x4c: {  	_ =	shalt  }
0x4d: {  	_ =	shalt  }
0x4e: {  	_ =	shalt  }
0x4f: {  	_ =	shalt  }
0x50: {  	_ =	shalt  }
0x51: {  	_ =	shalt  }
0x52: {  	_ =	shalt  }
0x53: {  	_ =	shalt  }
0x54: {  	_ =	shalt  }
0x55: {  	_ =	shalt  }
0x56: {  	_ =	shalt  }
0x57: {  	_ =	shalt  }
0x58: {  	_ =	shalt  }
0x59: {  	_ =	shalt  }
0x5a: {  	_ =	shalt  }
0x5b: {  	_ =	shalt  }
0x5c: {  	_ =	shalt  }
0x5d: {  	_ =	shalt  }
0x5e: {  	_ =	shalt  }
0x5f: {  	_ =	shalt  }
0x60: {  	_ =	shalt  }
0x61: {  	_ =	shalt  }
0x62: {  	_ =	shalt  }
0x63: {  	_ =	shalt  }
0x64: {  	_ =	shalt  }
0x65: {  	_ =	shalt  }
0x66: {  	_ =	shalt  }
0x67: {  	_ =	shalt  }
0x68: {  	_ =	shalt  }
0x69: {  	_ =	shalt  }
0x6a: {  	_ =	shalt  }
0x6b: {  	_ =	shalt  }
0x6c: {  	_ =	shalt  }
0x6d: {  	_ =	shalt  }
0x6e: {  	_ =	shalt  }
0x6f: {  	_ =	shalt  }
0x70: {  	_ =	shalt  }
0x71: {  	_ =	shalt  }
0x72: {  	_ =	shalt  }
0x73: {  	_ =	shalt  }
0x74: {  	_ =	shalt  }
0x75: {  	_ =	shalt  }
0x76: {  	_ =	shalt  }
0x77: {  	_ =	shalt  }
0x78: {  	_ =	shalt  }
0x79: {  	_ =	shalt  }
0x7a: {  	_ =	shalt  }
0x7b: {  	_ =	shalt  }
0x7c: {  	_ =	shalt  }
0x7d: {  	_ =	shalt  }
0x7e: {  	_ =	shalt  }
0x7f: {  	_ =	shalt  }
0x80: {  	_ =	shalt  }
0x81: {  	_ =	shalt  }
0x82: {  	_ =	shalt  }
0x83: {  	_ =	shalt  }
0x84: {  	_ =	shalt  }
0x85: {  	_ =	shalt  }
0x86: {  	_ =	shalt  }
0x87: {  	_ =	shalt  }
.Lfunc_end0:
.L_simem_size_0:
called_computation_lowered:
.L_overlay_start_0:
0x88: {  	s2 =	sld [smem:$0x3FD9]  }
0x89: {  	s3 =	sld [smem:$0x3FFE];
	_ =	sdelay $0x1  }
0x8a: {  	s1 =	srdreg.scid  }
0x8b: {  	s0 =	sand.u32 $0x1, s1  }
0x8c: {  	s17 =	sshll.u32 s0, $0xA;
	s2 =	sadd.s32 s3, s2  }
0x8d: {  	s2 =	sadd.s32 s2, s17  }
0x8e: {  	[smem:$0x3FC2] =	sst s2  }
0x8f: {  	_ = 	snop  }
0x90: {  	s2 =	sld [smem:$0x3FC5]  }
0x91: {  	s18 =	sld [smem:$0x3FD0];
	(tm) =	ssettm $0x1  }
0x92: {  	s4 =	sld [smem:$0x3FFB];
	_ =	sdelay $0x3  }
0x93: {  	_ =	strace s4  }
0x94: {  	s4 =	sld [smem:$0x3FFC];
	_ =	sdelay $0x3  }
0x95: {  	_ =	strace s4  }
0x96: {  	s4 =	sld [smem:$0x3FFD];
	_ =	sdelay $0x3  }
0x97: {  	_ =	strace s4  }
0x98: {  	_ =	strace $0x8FFFFFFF  }
0x99: {  	s19 =	sld [smem:$0x3FDB];
	_ =	sdelay $0x1  }
0x9a: {  	s5 =	simm.s32 $_scs_section_size  }
0x9b: {  	s6 =	simm.s32 $_size__tile_overlayer_lowered;
	s7 =	simm.s32 $_tile_overlayer_lowered  }
0x9c: {  	s22 =	simm.s32 $0x1BFF;
	s21 =	sshll.u32 s7, $0x1;
	s4 =	sadd.s32 s5, s19  }
0x9d: {  	s8 =	simm.s32 $0x0;
	s20 =	sshll.u32 s6, $0x1;
	s6 =	sadd.s32 s21, s4  }
0x9e: {  	[timem:s8], [sflag:s22] =	dma.local [hbm:s6], s20  }
0x9f: {  	_ =	swait.ge [sflag:s22], s20  }
0xa0: {  	s5 =	ssub.s32 $0x0, s20;
	[sflag:s22] =	ssyncset.done $0x0  }
0xa1: {  	[sflag:s22] =	ssyncadd.s32 s5;
	_ =	sdelay $0x1  }
0xa2: {  	s23 =	simm.s32 $0x1B8B  }
0xa3: {  	_ =	swait.ge [sflag:s23], $0x1  }
0xa4: {  	[sflag:s23] =	ssyncset.done $0x0  }
0xa5: {  	s25 =	simm.s32 $0x1B8E;
	s24 =	sld [smem:$0x3FFE];
	[sflag:s23] =	ssyncadd.s32 $0xFFFFFFFF  }
0xa6: {  	s26 =	simm.s32 $execute0_lowered;
	[smem:$0x3FD2] =	sst s25  }
0xa7: {  	s6 =	sshll.u32 s26, $0x1;
	_ =	strace $0x80000046;
	[dreg:$0x1] =	wrdreg $0xFFFFFFFF  }
0xa8: {  	s28 =	simm.s32 $_size_execute0_lowered;
	s4 =	sadd.s32 s4, s6;
	[dreg:$0x0] =	wrdreg $0x0  }
0xa9: {  	s6 =	sshll.u32 s28, $0x1;
	[dreg:$0x2] =	wrdreg s4  }
0xaa: {  	[dreg:$0x3] =	wrdreg s6  }
0xab: {  	[dreg:$0x4] =	wrdreg $0xC0  }
0xac: {  	_ =	task [dreg:s8], $0x5FFFF  }
0xad: {  	[dreg:$0x1] =	wrdreg $0xFFFFFFFF  }
0xae: {  	[dreg:$0x0] =	wrdreg $0x60  }
0xaf: {  	[dreg:$0x2] =	wrdreg s18  }
0xb0: {  	[dreg:$0x3] =	wrdreg s24  }
0xb1: {  	[dreg:$0x4] =	wrdreg s2  }
0xb2: {  	[dreg:$0x5] =	wrdreg $0x89000  }
0xb3: {  	[dreg:$0x6] =	wrdreg $0x9  }
0xb4: {  	_ =	task.clear_ibuf [dreg:s8], $0x7FFFF;
	_ =	strace $0x90000046  }
0xb5: {  	s29 =	simm.s32 $0x9;
	_ =	strace $0x80000048  }
0xb6: {  	_ =	swait.ge [sflag:s29], $0x1  }
0xb7: {  	[sflag:s29] =	ssyncadd.s32 $0xFFFFFFFF  }
0xb8: {  	_ =	strace $0x90000048  }
0xb9: {  	_ =	sfence  }
0xba: {  	s30 =	sld [smem:$0x0];
	_ =	sdelay $0x2  }
0xbb: {  	s31 =	sshll.u32 s1, $0xD;
	s1 =	sshrl.u32 s1, $0x2  }
0xbc: {  	s3 =	sand.u32 $0x4000, s31;
	s1 =	sadd.s32 s1, s30  }
0xbd: {  	s0 =	sor.u32 s3, s0;
	s1 =	sshll.u32 s1, $0x11  }
0xbe: {  	s0 =	sor.u32 s1, s0  }
0xbf: {  	s0 =	sadd.s32 $0x8F2B, s0  }
0xc0: {  	[sflag:s0] =	ssyncadd.remote.s32 $0x1  }
0xc1: {  	_ =	sfence.sel $0xFFFF  }
0xc2: {  	[dreg:$0x0] =	wrdreg $0xFFFFFFFF;
	(pc) =	sbr.abs _section_cstart, $3  }
0xc3: {  	[dreg:$0x1] =	wrdreg $0xFFFFFFFF  }
0xc4: {  	_ =	task.clear_ibuf [dreg:s8], $0x2FFFF;
	_ =	strace $0x9FFFFFFF  }
0xc5: {  	(tm) =	ssettm $0x7FFFFFFF  }
tec
execute0_lowered:
.L_overlay_start_1:
0x0: {  	(tag) =	ssettag $0x1  }
0x1: {  	s1 =	rddreg [dreg:$0x0]  }
0x2: {  	s0 =	rddreg [dreg:$0x1]  }
0x3: {  	s2 =	rddreg [dreg:$0x2]  }
0x4: {  	s3 =	rddreg [dreg:$0x3]  }
0x5: {  	s4 =	simm.s32 $0x0;
	s5 =	srdreg.scid;
	s12 =	stileid.u32  }
0x6: {  	s20 =	simm.s32 $0x800;
	s21 =	simm.s32 $0x4;
	s23 =	simm.s32 $0x80  }
0x7: {  	s28 =	simm.s32 $0x3;
	s31 =	simm.s32 $0x400;
	[smem:$0x7FF] =	sst s4  }
0x8: {  	s6 =	sand.u32 $0x1, s5;
	s7 =	smul.u32 $0x50000, s12;
	s5 =	sadd.s32 $0x200, s0  }
0x9: {  	s10 =	smul.u32 $0x9E00, s12;
	s13 =	sadd.s32 $0x27A00, s0;
	_ =	strace $0x80000047  }
0xa: {  	s11 =	smul.u32 $0x9E000, s6;
	s8 =	sshll.u32 s6, $0x7;
	s9 =	ssub.s32 $0x2, s6  }
0xb: {  	[dreg:$0x5] =	wrdreg s13;
	s6 =	sshll.u32 s6, $0x4;
	s0 =	sadd.s32 s8, s0  }
0xc: {  	s24 =	sshrl.u32 s9, $0x1;
	s25 =	sshrl.u32 s7, $0x2;
	s7 =	smul.u32 $0x280, s12  }
0xd: {  	s2 =	sadd.s32 s2, s6;
	s15 =	ssub.s32 s9, s24;
	s26 =	sadd.s32 s10, s11  }
0xe: {  	s8 =	sadd.s32 s25, s3;
	s9 =	smul.u32 $0x4F, s12;
	s12 =	sor.u32 $0x400, s11  }
0xf: {  	[dreg:$0x7] =	wrdreg s2;
	s14 =	sadd.s32 $0x27C00, s0;
	s25 =	simm.s32 $0x1  }
0x10: {  	s0 =	simm.s32 $0x0;
	s10 =	sshrl.u32 s26, $0x3;
	s30 =	smax.u32 s15, $0x1  }
0x11: {  	s16 =	sadd.s32 $0x4000, s8;
	s17 =	sadd.s32 $0x8000, s8;
	s10 =	sadd.s32 s5, s10  }
0x12: {  	s18 =	sadd.s32 $0xC000, s8;
	[dreg:$0x8] =	wrdreg s30;
	s29 =	sadd.s32 $0x40, s10  }
0x13: {  	v0 =	vimm.f32 $0.0e+00;
	s19 =	sadd.s32 $0x10000, s8;
	s26 =	simm.s32 $0x2;
	[dreg:$0x6] =	wrdreg s29  }
.LBB2_1:
0x14: {  	s2 =	simm.s32 $0x0;
	s6 =	simm.s32 $0x200  }
.LBB2_2:
0x15: {  	p0 =	sne.s32 s6, $0xFE00;
	[tilespmem:s2+$0x870] =	vst v0  }
0x16: {  	[tilespmem:s2+$0x800] =	vst v0  }
0x17: {  	[tilespmem:s2+$0x810] =	vst v0  }
.Ltmp0:
0x18: {  	[tilespmem:s2+$0x820] =	vst v0;
	(pc) =	sbr.rel @p0 .LBB2_2-.Ltmp0, $4  }
0x19: {  	[tilespmem:s2+$0x830] =	vst v0  }
0x1a: {  	[tilespmem:s2+$0x840] =	vst v0  }
0x1b: {  	[tilespmem:s2+$0x850] =	vst v0  }
0x1c: {  	[tilespmem:s2+$0x860] =	vst v0;
	s2 =	sshra.s32 s6, $0x2;
	s6 =	sadd.s32 $0x200, s6  }
0x1d: {  	[tilespmem:s2+$0x870] =	vst v0  }
0x1e: {  	[tilespmem:s2+$0x800] =	vst v0  }
0x1f: {  	[tilespmem:s2+$0x810] =	vst v0  }
0x20: {  	[tilespmem:s2+$0x820] =	vst v0  }
0x21: {  	[tilespmem:s2+$0x830] =	vst v0  }
0x22: {  	[tilespmem:s2+$0x840] =	vst v0  }
0x23: {  	[tilespmem:s2+$0x850] =	vst v0  }
0x24: {  	[tilespmem:s2+$0x860] =	vst v0  }
0x25: {  	[spmem:s8] =	stream.linear.scatter [tilespmem:s20], [sflag:$0x4], $0x4000, $0x38;
	[tilespmem:$0x1C900] =	vst v63  }
0x26: {  	_ =	swait.ge [sflag:s21], $0x4000  }
0x27: {  	[sflag:s21] =	ssyncset.done $0x0  }
0x28: {  	[sflag:s21] =	ssyncadd.s32 $0xFFFFC000  }
0x29: {  	[spmem:s16] =	stream.linear.scatter [tilespmem:s20], [sflag:$0x4], $0x4000, $0x38;
	[tilespmem:$0x1C900] =	vst v63  }
0x2a: {  	_ =	swait.ge [sflag:s21], $0x4000  }
0x2b: {  	[sflag:s21] =	ssyncset.done $0x0  }
0x2c: {  	[sflag:s21] =	ssyncadd.s32 $0xFFFFC000  }
0x2d: {  	[spmem:s17] =	stream.linear.scatter [tilespmem:s20], [sflag:$0x4], $0x4000, $0x38;
	[tilespmem:$0x1C900] =	vst v63  }
0x2e: {  	_ =	swait.ge [sflag:s21], $0x4000  }
0x2f: {  	[sflag:s21] =	ssyncset.done $0x0  }
0x30: {  	[sflag:s21] =	ssyncadd.s32 $0xFFFFC000  }
0x31: {  	[spmem:s18] =	stream.linear.scatter [tilespmem:s20], [sflag:$0x4], $0x4000, $0x38;
	[tilespmem:$0x1C900] =	vst v63  }
0x32: {  	_ =	swait.ge [sflag:s21], $0x4000  }
0x33: {  	[sflag:s21] =	ssyncset.done $0x0  }
0x34: {  	[sflag:s21] =	ssyncadd.s32 $0xFFFFC000  }
0x35: {  	[spmem:s19] =	stream.linear.scatter [tilespmem:s20], [sflag:$0x4], $0x4000, $0x38;
	[tilespmem:$0x1C900] =	vst v63  }
0x36: {  	_ =	swait.ge [sflag:s21], $0x4000  }
0x37: {  	[sflag:s21] =	ssyncset.done $0x0  }
0x38: {  	[sflag:s21] =	ssyncadd.s32 $0xFFFFC000  }
0x39: {  	s2 =	simm.s32 $0x0;
	s6 =	simm.s32 $0x4800;
	[bflag:$0x0] =	sbarrier.arrive $0xFFFF  }
0x3a: {  	[tilespmem:s6], [sflag:$0x2] =	stream.linear.gather [hbm4b:s1+s2], $0x4000, $0x38;
	[tilespmem:$0x1C900] =	vst v63  }
0x3b: {  	_ = 	snop  }
0x3c: {  	[tilespmem:s2], [sflag:$0x4] =	stream.linear.gather [hbm4b:s10+s2], $0x180, $0x38;
	[tilespmem:$0x1C900] =	vst v63  }
0x3d: {  	_ =	swait.ge [sflag:s21], $0x180  }
0x3e: {  	[sflag:s21] =	ssyncset.done $0x0  }
0x3f: {  	s11 =	simm.s32 $0x180;
	[sflag:s21] =	ssyncadd.s32 $0xFFFFFE80  }
0x40: {  	[tilespmem:s20], [sflag:$0x1] =	stream.indirect.gather [hbm4b:s1+s23], $0x80, s2, s23, $0xb8;
	[tilespmem:$0x1C900] =	vst v63  }
0x41: {  	p0 =	por $0x0, $0x0;
	s22 =	simm.s32 $0x0;
	s30 =	rddreg [dreg:$0x6]  }
0x42: {  	[tilespmem:s11], [sflag:$0x3] =	stream.linear.gather [hbm4b:s30+s2], $0x180, $0x38;
	[tilespmem:$0x1C900] =	vst v63  }
.LBB2_4:
0x43: {  	s6 =	smov.u32 s22  }
0x44: {  	s11 =	smul.u32 $0xAB, s22;
	s29 =	sadd.s32 $0x2, s22;
	s22 =	simm.s32 $0x1  }
0x45: {  	_ =	swait.ge [sflag:s26], $0x4000;
	s30 =	sand.u32 $0xFF, s29;
	s22 =	simm.s32 @!p0 $0x0  }
0x46: {  	s15 =	sand.u32 $0x1, s6;
	[sflag:s26] =	ssyncset.done $0x0;
	s24 =	sshrl.u32 s11, $0x9  }
0x47: {  	s30 =	smul.u32 $0xAB, s30;
	s13 =	sshll.u32 s22, $0xE;
	s24 =	sand.u32 $0x7F, s24  }
0x48: {  	[sflag:s26] =	ssyncadd.s32 $0xFFFFC000;
	s11 =	sadd.s32 $0xAB, s11;
	s22 =	smul.u32 $0x3, s24  }
0x49: {  	_ =	swait.ge [sflag:s28], $0x180;
	s11 =	sshrl.u32 s11, $0x9;
	s24 =	sshrl.u32 s30, $0x9  }
0x4a: {  	s11 =	sand.u32 $0x7F, s11;
	s30 =	smul.u32 $0x3, s24;
	s22 =	ssub.s32 s6, s22  }
0x4b: {  	s24 =	sand.u32 $0xFF, s22;
	s22 =	sadd.s32 $0x1, s6;
	s6 =	sadd.s32 s9, s6  }
0x4c: {  	[sflag:s28] =	ssyncset.done $0x0;
	s11 =	smul.u32 $0x3, s11;
	p1 =	slt.s32 s6, $0x4ED  }
0x4d: {  	[sflag:s28] =	ssyncadd.s32 $0xFFFFFE80;
	s29 =	ssub.s32 s29, s30;
	s6 =	simm.s32 @!p1 $0x4ED  }
0x4e: {  	s29 =	sand.u32 $0xFF, s29;
	s30 =	smul.u32 $0x180, s24;
	s6 =	sshll.u32 s6, $0x9  }
0x4f: {  	s11 =	ssub.s32 s22, s11;
	s29 =	smul.u32 $0x600, s29;
	s6 =	sadd.s32 s6, s12  }
0x50: {  	s11 =	sand.u32 $0xFF, s11;
	s30 =	sadd.s32 $0x100, s30;
	s6 =	sshrl.u32 s6, $0x3  }
0x51: {  	v2 =	vmov s2;
	s11 =	smul.u32 $0x600, s11;
	s29 =	sshrl.u32 s29, $0x2;
	s6 =	sadd.s32 s5, s6  }
0x52: {  	v2 =	vand.u32 $0x7F, v2;
	v1 =	vmov s30;
	[tilespmem:s29], [sflag:$0x3] =	stream.linear.gather [hbm4b:s6+s2], $0x180, $0x38;
	[tilespmem:$0x1C900] =	vst v63  }
0x53: {  	v2 =	vadd.s32 v1, v2;
	s29 =	sshll.u32 s15, $0xE;
	_ =	swait.ge [sflag:s25], $0x4000  }
0x54: {  	s11 =	sshrl.u32 s11, $0x2;
	v2 =	vbroadcast v2, $0x0;
	s15 =	sxor.u32 $0x4000, s29;
	[sflag:s25] =	ssyncset.done $0x0  }
0x55: {  	s6 =	sor.u32 $0x840, s13;
	s13 =	sor.u32 $0x800, s15;
	[sflag:s25] =	ssyncadd.s32 $0xFFFFC000  }
0x56: {  	[tilespmem:s13], [sflag:$0x1] =	stream.indirect.gather [hbm4b:s1+s23], $0x80, s11, s23, $0xb8;
	[tilespmem:$0x1C900] =	vst v63  }
0x57: {  	v6 =	vld [tilespmem:s6+$0x30]  }
0x58: {  	v9 =	vld [tilespmem:s6+$0x10]  }
0x59: {  	v7 =	vld [tilespmem:s6+$0xFFFFFFC0]  }
0x5a: {  	v3 =	vld.idx.msk [tilespmem:v2+s4+$0x0], $0xffff  }
0x5b: {  	v12 =	vld [tilespmem:s6+$0xFFFFFFE0]  }
0x5c: {  	v2 =	vld [tilespmem:s6+$0xFFFFFFF0]  }
0x5d: {  	v4 =	vld [tilespmem:s6+$0x20]  }
0x5e: {  	v5 =	vld [tilespmem:s6+$0xFFFFFFD0]  }
0x5f: {  	v10 =	vmul.f32 v3, v6;
	v6 =	vld [tilespmem:s6+$0x0]  }
0x60: {  	s15 =	simm.s32 $0x1;
	v8 =	vmul.f32 v3, v7  }
0x61: {  	s30 =	smov.u32 s6;
	v11 =	vmov s15;
	s11 =	simm.s32 $0x2;
	v7 =	vmul.f32 v3, v12;
	v9 =	vmul.f32 v3, v9  }
.LBB2_5:
0x62: {  	p1 =	sne.s32 s11, $0x7F  }
0x63: {  	v11 =	vand.u32 $0x7F, v11;
	v5 =	vmul.f32 v3, v5;
	v4 =	vmul.f32 v3, v4;
	[tilespmem:s6+$0x30] =	vst v10;
	s30 =	sadd.s32 $0x80, s30;
	s13 =	smov.u32 s11;
	s11 =	sadd.s32 $0x1, s11  }
0x64: {  	v10 =	vadd.s32 v1, v11;
	[tilespmem:s6+$0xFFFFFFC0] =	vst v8;
	v8 =	vmul.f32 v3, v2;
	v3 =	vmul.f32 v3, v6  }
0x65: {  	v6 =	vbroadcast v10, $0x0;
	[tilespmem:s6+$0x10] =	vst v9  }
0x66: {  	[tilespmem:s6+$0xFFFFFFE0] =	vst v7  }
0x67: {  	v2 =	vld [tilespmem:s30+$0xFFFFFFF0];
	[tilespmem:s6+$0xFFFFFFF0] =	vst v8  }
0x68: {  	v7 =	vld [tilespmem:s30+$0x30];
	[tilespmem:s6+$0x0] =	vst v3  }
0x69: {  	v9 =	vld [tilespmem:s30+$0x10];
	[tilespmem:s6+$0x20] =	vst v4  }
0x6a: {  	v8 =	vld [tilespmem:s30+$0xFFFFFFC0];
	[tilespmem:s6+$0xFFFFFFD0] =	vst v5;
	s6 =	smov.u32 s30  }
0x6b: {  	v3 =	vld.idx.msk [tilespmem:v6+s4+$0x0], $0xffff  }
0x6c: {  	v12 =	vld [tilespmem:s30+$0xFFFFFFE0]  }
0x6d: {  	v4 =	vld [tilespmem:s30+$0x20]  }
.Ltmp1:
0x6e: {  	v5 =	vld [tilespmem:s30+$0xFFFFFFD0];
	(pc) =	sbr.rel @p1 .LBB2_5-.Ltmp1, $3  }
0x6f: {  	v6 =	vld [tilespmem:s30+$0x0];
	_ =	sdelay $0x1  }
0x70: {  	v8 =	vmul.f32 v3, v8;
	v10 =	vmul.f32 v3, v7  }
0x71: {  	v11 =	vmov s13;
	v9 =	vmul.f32 v3, v9;
	v7 =	vmul.f32 v3, v12  }
0x72: {  	[tilespmem:s6+$0x30] =	vst v10;
	v58 =	vand.u32 $0x7F, v11  }
0x73: {  	[tilespmem:s6+$0xFFFFFFC0] =	vst v8;
	v1 =	vadd.s32 v1, v58  }
0x74: {  	v2 =	vmul.f32 v3, v2;
	[tilespmem:s6+$0x10] =	vst v9;
	v1 =	vbroadcast v1, $0x0  }
0x75: {  	s11 =	sadd.s32 $0x80, s30;
	[tilespmem:s6+$0xFFFFFFE0] =	vst v7;
	v6 =	vmul.f32 v3, v6  }
0x76: {  	v4 =	vmul.f32 v3, v4;
	v3 =	vmul.f32 v3, v5;
	v7 =	vld [tilespmem:s11+$0xFFFFFFF0];
	[tilespmem:s6+$0xFFFFFFF0] =	vst v2  }
0x77: {  	v2 =	vld [tilespmem:s11+$0x30];
	[tilespmem:s6+$0x0] =	vst v6  }
0x78: {  	v60 =	vld [tilespmem:s11+$0xFFFFFFC0];
	[tilespmem:s6+$0xFFFFFFD0] =	vst v3  }
0x79: {  	v59 =	vld [tilespmem:s11+$0x10];
	[tilespmem:s6+$0x20] =	vst v4  }
0x7a: {  	v1 =	vld.idx.msk [tilespmem:v1+s4+$0x0], $0xffff;
	_ =	sdelay $0x2  }
0x7b: {  	v6 =	vld [tilespmem:s11+$0x0]  }
0x7c: {  	v3 =	vld [tilespmem:s11+$0xFFFFFFE0]  }
0x7d: {  	v2 =	vmul.f32 v1, v2  }
0x7e: {  	v61 =	vld [tilespmem:s11+$0x20];
	v4 =	vmul.f32 v1, v60  }
0x7f: {  	v62 =	vld [tilespmem:s11+$0xFFFFFFD0];
	v5 =	vmul.f32 v1, v59;
	[tilespmem:s11+$0x30] =	vst v2  }
0x80: {  	v63 =	vmul.f32 v1, v6;
	[tilespmem:s11+$0xFFFFFFC0] =	vst v4  }
0x81: {  	v2 =	vmul.f32 v1, v3;
	[tilespmem:s11+$0x10] =	vst v5  }
0x82: {  	s24 =	smul.u32 $0x600, s24;
	p1 =	sne.s32 s22, $0x4F;
	v3 =	vmul.f32 v1, v7;
	[tilespmem:s11+$0x0] =	vst v63  }
.Ltmp2:
0x83: {  	[tilespmem:s11+$0xFFFFFFE0] =	vst v2;
	v2 =	vmul.f32 v1, v61;
	(pc) =	sbr.rel @p1 .LBB2_4-.Ltmp2, $4  }
0x84: {  	[tilespmem:s11+$0xFFFFFFF0] =	vst v3;
	v1 =	vmul.f32 v1, v62  }
0x85: {  	s6 =	sshrl.u32 s24, $0x2;
	[tilespmem:s11+$0x20] =	vst v2  }
0x86: {  	s30 =	sor.u32 $0x800, s29;
	p0 =	por !p0, !p0;
	s6 =	sadd.s32 $0x80, s6;
	[tilespmem:s11+$0xFFFFFFD0] =	vst v1  }
0x87: {  	[spmem:s3] =	stream.indirect.scatter.add.f32 [tilespmem:s30], [sflag:$0x2], $0x80, s6, s23, $0xb8;
	[tilespmem:$0x1C900] =	vst v63  }
0x88: {  	_ =	swait.ge [sflag:s28], $0x180  }
0x89: {  	[sflag:s28] =	ssyncset.done $0x0  }
0x8a: {  	[sflag:s28] =	ssyncadd.s32 $0xFFFFFE80  }
0x8b: {  	_ =	swait.ge [sflag:s25], $0x4000  }
0x8c: {  	[sflag:s25] =	ssyncset.done $0x0  }
0x8d: {  	[sflag:s25] =	ssyncadd.s32 $0xFFFFC000  }
0x8e: {  	_ =	swait.ge [sflag:s26], $0x4000  }
0x8f: {  	[sflag:s26] =	ssyncset.done $0x0  }
0x90: {  	[sflag:s26] =	ssyncadd.s32 $0xFFFFC000  }
0x91: {  	[bflag:$0x0] =	sbarrier.arrive $0xFFFF  }
0x92: {  	s2 =	simm.s32 $0x0;
	s11 =	simm.s32 $0x8800;
	s6 =	rddreg [dreg:$0x7]  }
0x93: {  	[tilespmem:s11], [sflag:$0x4] =	stream.linear.gather [hbm4b:s6+s2], $0x80, $0x38;
	[tilespmem:$0x1C900] =	vst v63  }
0x94: {  	_ =	swait.ge [sflag:s21], $0x80  }
0x95: {  	[sflag:s21] =	ssyncset.done $0x0  }
0x96: {  	s30 =	simm.s32 $0x8880;
	s29 =	rddreg [dreg:$0x5];
	[sflag:s21] =	ssyncadd.s32 $0xFFFFFF80  }
0x97: {  	[tilespmem:s30], [sflag:$0x4] =	stream.linear.gather [hbm4b:s29+s2], $0x80, $0x38;
	[tilespmem:$0x1C900] =	vst v63  }
0x98: {  	_ =	swait.ge [sflag:s21], $0x80  }
0x99: {  	[sflag:s21] =	ssyncset.done $0x0  }
0x9a: {  	[sflag:s21] =	ssyncadd.s32 $0xFFFFFF80  }
0x9b: {  	v1 =	vld [tilespmem:$0x8880]  }
0x9c: {  	v2 =	vld [tilespmem:$0x8800]  }
0x9d: {  	v3 =	vld [tilespmem:$0x8810]  }
0x9e: {  	v4 =	vld [tilespmem:$0x8820]  }
0x9f: {  	v5 =	vld [tilespmem:$0x8830]  }
0xa0: {  	v6 =	vld [tilespmem:$0x8840]  }
0xa1: {  	v7 =	vld [tilespmem:$0x8850]  }
0xa2: {  	v8 =	vld [tilespmem:$0x8860]  }
0xa3: {  	v9 =	vld [tilespmem:$0x8870]  }
.LBB2_8:
0xa4: {  	s6 =	sshll.u32 s2, $0x7  }
0xa5: {  	s22 =	sadd.s32 s7, s6  }
0xa6: {  	s6 =	sshll.u32 s22, $0x7  }
0xa7: {  	s6 =	sand.u32 $0x3FFFFF80, s6  }
0xa8: {  	s6 =	sadd.s32 s6, s3  }
0xa9: {  	[tilespmem:s20], [sflag:$0x4] =	stream.linear.gather [spmem:s6], $0x4000, $0x38;
	[tilespmem:$0x1C900] =	vst v63  }
0xaa: {  	_ =	swait.ge [sflag:s21], $0x4000  }
0xab: {  	[sflag:s21] =	ssyncset.done $0x0  }
0xac: {  	s24 =	simm.s32 $0x0;
	[sflag:s21] =	ssyncadd.s32 $0xFFFFC000  }
0xad: {  	v10 =	vld [tilespmem:s24+$0x860]  }
0xae: {  	v11 =	vld [tilespmem:s24+$0x830];
	_ =	sdelay $0x1  }
0xaf: {  	v14 =	vld [tilespmem:s24+$0x870]  }
0xb0: {  	v16 =	vld [tilespmem:s24+$0x850]  }
0xb1: {  	v13 =	vld [tilespmem:s24+$0x800];
	v18 =	vadd.f32 v10, v8  }
0xb2: {  	v15 =	vadd.f32 v11, v5  }
0xb3: {  	v10 =	vld [tilespmem:s24+$0x810];
	v19 =	vmul.f32 v18, v1  }
0xb4: {  	v12 =	vld [tilespmem:s24+$0x840];
	v14 =	vadd.f32 v14, v9;
	v17 =	vmul.f32 v15, v1;
	vm1 =	vgt.f32 v18, $0.0e+00  }
0xb5: {  	s29 =	simm.s32 $0x200;
	v11 =	vld [tilespmem:s24+$0x820];
	v16 =	vadd.f32 v16, v7;
	vm0 =	vgt.f32 v15, $0.0e+00;
	v18 =	vsel vm1, v18, v19  }
.LBB2_9:
0xb6: {  	s6 =	sshra.s32 s29, $0x2;
	p0 =	sne.s32 s29, $0xFE00;
	s29 =	sadd.s32 $0x200, s29;
	v13 =	vadd.f32 v13, v2;
	v15 =	vsel vm0, v15, v17;
	[tilespmem:s24+$0x860] =	vst v18;
	v17 =	vmul.f32 v14, v1  }
0xb7: {  	vm1 =	vgt.f32 v14, $0.0e+00;
	v18 =	vld [tilespmem:s6+$0x860];
	[tilespmem:s24+$0x830] =	vst v15;
	vm0 =	vgt.f32 v16, $0.0e+00;
	v15 =	vmul.f32 v16, v1  }
0xb8: {  	v19 =	vld [tilespmem:s6+$0x830];
	v20 =	vmul.f32 v13, v1;
	v10 =	vadd.f32 v10, v3;
	v14 =	vsel vm1, v14, v17  }
0xb9: {  	vm1 =	vgt.f32 v13, $0.0e+00;
	v12 =	vadd.f32 v12, v6;
	v15 =	vsel vm0, v16, v15;
	[tilespmem:s24+$0x870] =	vst v14  }
0xba: {  	v14 =	vld [tilespmem:s6+$0x870];
	v13 =	vsel vm1, v13, v20;
	v16 =	vmul.f32 v10, v1;
	v11 =	vadd.f32 v11, v4;
	[tilespmem:s24+$0x850] =	vst v15  }
0xbb: {  	vm0 =	vgt.f32 v10, $0.0e+00;
	v20 =	vld [tilespmem:s6+$0x850];
	[tilespmem:s24+$0x800] =	vst v13;
	vm1 =	vgt.f32 v12, $0.0e+00;
	v17 =	vmul.f32 v12, v1  }
.Ltmp3:
0xbc: {  	v13 =	vld [tilespmem:s6+$0x800];
	v18 =	vadd.f32 v18, v8;
	v10 =	vsel vm0, v10, v16;
	v16 =	vmul.f32 v11, v1;
	(pc) =	sbr.rel @p0 .LBB2_9-.Ltmp3, $4  }
0xbd: {  	vm0 =	vgt.f32 v11, $0.0e+00;
	v15 =	vadd.f32 v19, v5;
	[tilespmem:s24+$0x810] =	vst v10;
	v12 =	vsel vm1, v12, v17  }
0xbe: {  	v10 =	vld [tilespmem:s6+$0x810];
	v19 =	vmul.f32 v18, v1;
	v11 =	vsel vm0, v11, v16;
	[tilespmem:s24+$0x840] =	vst v12  }
0xbf: {  	vm1 =	vgt.f32 v18, $0.0e+00;
	v17 =	vmul.f32 v15, v1;
	v12 =	vld [tilespmem:s6+$0x840];
	v14 =	vadd.f32 v14, v9;
	[tilespmem:s24+$0x820] =	vst v11;
	s24 =	smov.u32 s6  }
0xc0: {  	vm0 =	vgt.f32 v15, $0.0e+00;
	v11 =	vld [tilespmem:s24+$0x820];
	v16 =	vadd.f32 v20, v7;
	v18 =	vsel vm1, v18, v19  }
0xc1: {  	v13 =	vadd.f32 v13, v2;
	v15 =	vsel vm0, v15, v17  }
0xc2: {  	v58 =	vmul.f32 v14, v1;
	vm1 =	vgt.f32 v14, $0.0e+00;
	vm11 =	vgt.f32 v16, $0.0e+00  }
0xc3: {  	[tilespmem:s24+$0x860] =	vst v18;
	v19 =	vmul.f32 v16, v1;
	v59 =	vmul.f32 v13, v1;
	v10 =	vadd.f32 v10, v3  }
0xc4: {  	[tilespmem:s24+$0x830] =	vst v15;
	v14 =	vsel vm1, v14, v58;
	vm12 =	vgt.f32 v13, $0.0e+00;
	v12 =	vadd.f32 v12, v6  }
0xc5: {  	v60 =	vsel vm11, v16, v19;
	[tilespmem:s24+$0x870] =	vst v14;
	v61 =	vmul.f32 v10, v1;
	v11 =	vadd.f32 v11, v4  }
0xc6: {  	v13 =	vsel vm12, v13, v59;
	[tilespmem:s24+$0x850] =	vst v60;
	vm13 =	vgt.f32 v10, $0.0e+00;
	v62 =	vmul.f32 v12, v1  }
0xc7: {  	[tilespmem:s24+$0x800] =	vst v13;
	vm14 =	vgt.f32 v12, $0.0e+00;
	v10 =	vsel vm13, v10, v61;
	v63 =	vmul.f32 v11, v1  }
0xc8: {  	s2 =	sadd.s32 $0x1, s2;
	vm15 =	vgt.f32 v11, $0.0e+00;
	[tilespmem:s24+$0x810] =	vst v10;
	v10 =	vsel vm14, v12, v62  }
0xc9: {  	s6 =	sshll.u32 s22, $0x5;
	p0 =	sne.s32 s2, $0x5;
	v11 =	vsel vm15, v11, v63;
	[tilespmem:s24+$0x840] =	vst v10  }
.Ltmp4:
0xca: {  	s6 =	sadd.s32 s6, s14;
	[tilespmem:s24+$0x820] =	vst v11;
	(pc) =	sbr.rel @p0 .LBB2_8-.Ltmp4, $4  }
0xcb: {  	[hbm4b:s6+s31] =	stream.strided.scatter [tilespmem:s20], [sflag:$0x4], $0x4000, s20, s31, $0x38;
	[tilespmem:$0x1C900] =	vst v63  }
0xcc: {  	_ =	swait.ge [sflag:s21], $0x4000  }
0xcd: {  	[sflag:s21] =	ssyncset.done $0x0  }
0xce: {  	[sflag:s21] =	ssyncadd.s32 $0xFFFFC000  }
0xcf: {  	s0 =	sadd.s32 $0x1, s0;
	s2 =	rddreg [dreg:$0x8]  }
0xd0: {  	p0 =	sne.s32 s0, s2  }
.Ltmp5:
0xd1: {  	_ = 	snop;
	(pc) =	sbr.rel @p0 .LBB2_1-.Ltmp5, $1  }
0xd2: {  	_ =	sdelay $0x3  }
0xd3: {  	_ =	sfence.sel $0x180000  }
0xd4: {  	[bflag:$0x0] =	sbarrier.arrive $0xFFFF  }
0xd5: {  	_ =	strace $0x90000047  }
0xd6: {  	s0 =	stileid.u32;
	[bflag:$0x2] =	sbarrier.arrive $0xFFFF  }
0xd7: {  	p0 =	sne.s32 s0, $0x0;
	s0 =	rddreg [dreg:$0x4]  }
0xd8: {  	s0 =	sadd.s32 @!p0 $0x100000, s0  }
0xd9: {  	[sflag:s0] =	ssyncadd.tile.s32 @!p0 $0x1;
	_ =	shalt  }
.Lfunc_end2:
_tile_overlayer_lowered:
.L_overlay_start_2:
0xda: {  	(tag) =	ssettag $0x2  }
0xdb: {  	s0 =	rddreg [dreg:$0x0];
	s2 =	stileid.u32  }
0xdc: {  	s1 =	rddreg [dreg:$0x1];
	p0 =	sne.s32 s2, $0x0  }
0xdd: {  	s3 =	rddreg [dreg:$0x2];
	[bflag:$0x3] =	sbarrier.arrive $0xFFFF;
	s2 =	simm.s32 @!p0 $0x1C04  }
0xde: {  	[timem:s3], [sflag:s2] =	dma.local @!p0 [hbm:s0], s1  }
0xdf: {  	s0 =	simm.s32 @!p0 $0x4  }
0xe0: {  	_ =	swait.ge @!p0 [sflag:s0], s1  }
0xe1: {  	s1 =	ssub.s32 @!p0 $0x0, s1;
	[sflag:s0] =	ssyncset.done @!p0 $0x0  }
0xe2: {  	[sflag:s0] =	ssyncadd.s32 @!p0 s1  }
0xe3: {  	[bflag:$0x3] =	sbarrier.arrive $0xFFFF  }
0xe4: {  	_ =	shalt  }

</sc_bundles>
